<compile_context>
chip_gen: v7x
topology: tpu7x:2x2x1
jax: 0.10.2.dev20260603
libtpu: 0.0.44.dev20260713+nightly
codegen_flags: <defaults>
</compile_context>

<pallas_src>
import functools

import jax
import jax.numpy as jnp
from jax import lax
from jax.experimental import pallas as pl
from jax.experimental.pallas import tpu as pltpu
from jax.experimental.pallas import tpu_sc as plsc

NC = 2
NS = 16
L = 16
EB = 128
NT = NC * NS


def _sc_mesh():
    return plsc.VectorSubcoreMesh(
        core_axis_name="c", subcore_axis_name="s", num_cores=NC, num_subcores=NS
    )


def _make_deg_kernel(npad, nb):
    sl = npad // NS

    @functools.partial(
        pl.kernel,
        out_type=jax.ShapeDtypeStruct((NC, npad), jnp.float32),
        mesh=_sc_mesh(),
        scratch_types=[
            pltpu.VMEM((nb, EB), jnp.int32),
            pltpu.VMEM((EB,), jnp.float32),
            pltpu.VMEM((sl,), jnp.float32),
            pltpu.VMEM_SHARED((npad,), jnp.float32),
        ],
    )
    def deg_k(dst_hbm, out_hbm, idx_v, ones_v, z_v, deg_sp):
        c = lax.axis_index("c")
        s = lax.axis_index("s")
        t = c * NS + s
        pltpu.sync_copy(dst_hbm.at[t], idx_v)
        zero16 = jnp.zeros((L,), jnp.float32)
        one16 = jnp.ones((L,), jnp.float32)

        def zb(i, _):
            z_v[pl.ds(i * L, L)] = zero16
            return 0

        lax.fori_loop(0, sl // L, zb, 0)
        for q in range(EB // L):
            ones_v[pl.ds(q * L, L)] = one16
        pltpu.sync_copy(z_v, deg_sp.at[pl.ds(s * sl, sl)])
        plsc.subcore_barrier()

        def body(j, _):
            pltpu.sync_copy(ones_v, deg_sp.at[idx_v.at[j]], add=True)
            return 0

        lax.fori_loop(0, nb, body, 0)
        plsc.subcore_barrier()
        pltpu.sync_copy(deg_sp.at[pl.ds(s * sl, sl)], out_hbm.at[c, pl.ds(s * sl, sl)])

    return deg_k


def _make_edge_kernel(npad, nb, d):
    sl = npad // NS
    nz = sl // EB

    @functools.partial(
        pl.kernel,
        out_type=[
            jax.ShapeDtypeStruct((NC, npad, d), jnp.float32),
            jax.ShapeDtypeStruct((NC, npad), jnp.float32),
        ],
        mesh=_sc_mesh(),
        scratch_types=[
            pltpu.VMEM((nb, EB), jnp.int32),
            pltpu.VMEM((nb, EB), jnp.int32),
            pltpu.VMEM((EB, d), jnp.float32),
            pltpu.VMEM((EB,), jnp.float32),
            pltpu.VMEM_SHARED((npad, d), jnp.float32),
            pltpu.VMEM_SHARED((npad,), jnp.float32),
            pltpu.SemaphoreType.DMA,
            pltpu.SemaphoreType.DMA,
        ],
    )
    def edge_k(src_hbm, dst_hbm, g_hbm, dinv_hbm, acc_hbm, cp_hbm,
               sidx, didx, rows, cvals, acc_sp, cp_sp, sem, sem2):
        c = lax.axis_index("c")
        s = lax.axis_index("s")
        t = c * NS + s
        pltpu.sync_copy(src_hbm.at[t], sidx)
        pltpu.sync_copy(dst_hbm.at[t], didx)
        zero16 = jnp.zeros((L,), jnp.float32)

        def zb(i, _):
            for q in range(d // L):
                rows[i, pl.ds(q * L, L)] = zero16
            return 0

        lax.fori_loop(0, EB, zb, 0)
        for q in range(EB // L):
            cvals[pl.ds(q * L, L)] = zero16
        for k in range(nz):
            pltpu.sync_copy(rows, acc_sp.at[pl.ds(s * sl + k * EB, EB)])
            pltpu.sync_copy(cvals, cp_sp.at[pl.ds(s * sl + k * EB, EB)])
        plsc.subcore_barrier()

        def body(j, _):
            cg = pltpu.async_copy(dinv_hbm.at[didx.at[j]], cvals, sem2)
            pltpu.async_copy(g_hbm.at[sidx.at[j]], rows, sem).wait()
            cg.wait()
            pltpu.sync_copy(rows, acc_sp.at[didx.at[j]], add=True)
            pltpu.sync_copy(cvals, cp_sp.at[sidx.at[j]], add=True)
            return 0

        lax.fori_loop(0, nb, body, 0)
        plsc.subcore_barrier()
        pltpu.sync_copy(acc_sp.at[pl.ds(s * sl, sl)], acc_hbm.at[c, pl.ds(s * sl, sl)])
        pltpu.sync_copy(cp_sp.at[pl.ds(s * sl, sl)], cp_hbm.at[c, pl.ds(s * sl, sl)])

    return edge_k


def _mm_call(x_p, w1, degt):
    npad, _ = x_p.shape
    h = w1.shape[1]

    def body(x_ref, w_ref, degt_ref, g_ref, dinv_ref):
        deg = degt_ref[:, 0:1] + degt_ref[:, 1:2] + 1.0
        dv = lax.rsqrt(deg)
        dinv_ref[...] = dv
        hh = jnp.dot(x_ref[...], w_ref[...], preferred_element_type=jnp.float32)
        g_ref[...] = hh * dv

    return pl.pallas_call(
        body,
        out_shape=[
            jax.ShapeDtypeStruct((npad, h), jnp.float32),
            jax.ShapeDtypeStruct((npad, 1), jnp.float32),
        ],
    )(x_p, w1, degt)


def _final_call(accp, cpt, dinv_col, g, b1, w2, b2, lin_w, lin_b, n):
    npad, d = g.shape
    ncls = lin_w.shape[1]
    inv_n = 1.0 / float(n)

    def body(accp_ref, cpt_ref, dinv_ref, g_ref, b1_ref, w2_ref, b2_ref,
             lw_ref, lb_ref, out_ref):
        dv = dinv_ref[...]
        accsum = accp_ref[0] + accp_ref[1] + g_ref[...]
        h1 = jnp.maximum(dv * accsum + b1_ref[...], 0.0)
        cvec = dv * (cpt_ref[:, 0:1] + cpt_ref[:, 1:2]) + dv * dv
        rid = lax.broadcasted_iota(jnp.int32, (npad, 1), 0)
        cvec = jnp.where(rid < n, cvec, 0.0)
        v = jnp.sum(h1 * cvec, axis=0, keepdims=True) * inv_n
        pooled = jnp.dot(v, w2_ref[...], preferred_element_type=jnp.float32) + b2_ref[...]
        out_ref[...] = (
            jnp.dot(pooled, lw_ref[...], preferred_element_type=jnp.float32) + lb_ref[...]
        )

    return pl.pallas_call(
        body,
        out_shape=jax.ShapeDtypeStruct((1, ncls), jnp.float32),
    )(accp, cpt, dinv_col, g, b1.reshape(1, d), w2, b2.reshape(1, d),
      lin_w, lin_b.reshape(1, ncls))


def kernel(x, edge_index, W1, b1, W2, b2, lin_W, lin_b):
    n, dfeat = x.shape
    e = edge_index.shape[1]
    d = W1.shape[1]

    npad = ((n + 1 + NS * EB - 1) // (NS * EB)) * (NS * EB)
    nb = (e + NT * EB - 1) // (NT * EB)
    epad = NT * nb * EB

    src = edge_index[0].astype(jnp.int32)
    dst = edge_index[1].astype(jnp.int32)
    padv = jnp.full((epad - e,), n, dtype=jnp.int32)
    srcp = jnp.concatenate([src, padv]).reshape(NT, nb, EB)
    dstp = jnp.concatenate([dst, padv]).reshape(NT, nb, EB)
    x_p = jnp.pad(x, ((0, npad - n), (0, 0)))

    degp = _make_deg_kernel(npad, nb)(dstp)
    g, dinv_col = _mm_call(x_p, W1, degp.T)
    dinv_flat = dinv_col.reshape(npad)
    accp, cpp = _make_edge_kernel(npad, nb, d)(srcp, dstp, g, dinv_flat)
    return _final_call(accp, cpp.T, dinv_col, g, b1, W2, b2, lin_W, lin_b, n)

# --- scband reference (transcript-rebuilt; emitter-appended) ---
"""Pipeline reference for scband-gcn-classification-71150428225943 (READ-ONLY COPY).

The authoritative reference and input builder live on the scoring server;
editing this copy changes nothing except your own understanding.
"""

import jax, jax.numpy as jnp
import numpy as np

N_NODES = 10000
N_EDGES = 320000
D_FEAT = 128
HIDDEN = 128
NUM_CLASSES = 10


def setup_inputs(seed: int = 0) -> dict:
    key = jax.random.key(seed)
    ks = jax.random.split(key, 8)
    x = jax.random.normal(ks[0], (N_NODES, D_FEAT), dtype=jnp.float32)
    edge_index = jax.random.randint(ks[1], (2, N_EDGES), 0, N_NODES, dtype=jnp.int64)
    W1 = jax.random.normal(ks[2], (D_FEAT, HIDDEN), dtype=jnp.float32) * (1.0 / np.sqrt(D_FEAT))
    b1 = jnp.zeros((HIDDEN,), dtype=jnp.float32)
    W2 = jax.random.normal(ks[3], (HIDDEN, HIDDEN), dtype=jnp.float32) * (1.0 / np.sqrt(HIDDEN))
    b2 = jnp.zeros((HIDDEN,), dtype=jnp.float32)
    lin_W = jax.random.normal(ks[4], (HIDDEN, NUM_CLASSES), dtype=jnp.float32) * (1.0 / np.sqrt(HIDDEN))
    lin_b = jnp.zeros((NUM_CLASSES,), dtype=jnp.float32)
    return {"x": x, "edge_index": edge_index, "W1": W1, "b1": b1, "W2": W2, "b2": b2, "lin_W": lin_W, "lin_b": lin_b}


def reference(x, edge_index, W1, b1, W2, b2, lin_W, lin_b):
    # GCN with add_self_loops + symmetric normalization, 2 layers, relu between.
    # Dropout is identity in eval mode. global_mean_pool with batch=zeros -> mean over nodes.
    N = x.shape[0]
    loop = jnp.arange(N, dtype=edge_index.dtype)
    src = jnp.concatenate([edge_index[0], loop])
    dst = jnp.concatenate([edge_index[1], loop])
    deg = jax.ops.segment_sum(jnp.ones(src.shape[0], dtype=x.dtype), dst, num_segments=N)
    dinv = jnp.where(deg > 0, jax.lax.rsqrt(deg), 0.0)
    norm = dinv[src] * dinv[dst]

    # layer 1
    h = x @ W1
    m = jnp.take(h, src, axis=0) * norm[:, None]
    h = jax.ops.segment_sum(m, dst, num_segments=N) + b1
    h = jax.nn.relu(h)

    # layer 2 (no activation after last GNN layer)
    h2 = h @ W2
    m2 = jnp.take(h2, src, axis=0) * norm[:, None]
    h2 = jax.ops.segment_sum(m2, dst, num_segments=N) + b2

    # global mean pool (single graph)
    pooled = jnp.mean(h2, axis=0, keepdims=True)
    out = pooled @ lin_W + lin_b
    return out

if __name__ == "__main__":
    import jax
    _d = setup_inputs()
    print(jax.jit(kernel)(*tuple(_d.values())))

</pallas_src>

<mosaic_0001>
#map = affine_map<(d0, d1) -> (0, 0, 0)>
#map1 = affine_map<(d0, d1) -> (0, 0)>
module attributes {stable_mosaic.version = 14 : i64} {
  func.func @deg_k(%arg0: i32, %arg1: i32, %arg2: memref<32x79x128xi32, #tpu.memory_space<hbm>>, %arg3: memref<2x10240xf32, #tpu.memory_space<hbm>>, %arg4: memref<79x128xi32, #tpu.memory_space<vmem>>, %arg5: memref<128xf32, #tpu.memory_space<vmem>>, %arg6: memref<640xf32, #tpu.memory_space<vmem>>, %arg7: memref<10240xf32, #tpu.memory_space<vmem_shared>>) attributes {dimension_semantics = [#tpu.dimension_semantics<core_parallel>, #tpu.dimension_semantics<subcore_parallel>], iteration_bounds = array<i64: 2, 16>, scalar_prefetch = 0 : i64, scratch_operands = 4 : i64, tpu.core_type = #tpu.core_type<sc_vector_subcore>, window_params = [{transform_indices = #map}, {transform_indices = #map1}]} {
    %mul3A = arith.constant 16 : i32
    %mul3A_0 = arith.muli %arg0, %mul3A : i32
    %add3A = arith.addi %mul3A_0, %arg1 : i32
    "tpu.region"() ({
      %run_scoped3A = tpu.sem_alloc : memref<!tpu.dma_semaphore, #tpu.memory_space<semaphore_mem>>
      %dma_start3A = arith.constant 0 : i32
      %dma_start3A_55 = arith.constant 0 : i32
      %dma_start3A_56 = tpu.memref_slice %arg2[%add3A, %dma_start3A, %dma_start3A_55] : memref<32x79x128xi32, #tpu.memory_space<hbm>> -> memref<1x79x128xi32, #tpu.memory_space<hbm>>
      %dma_start3A_57 = tpu.memref_squeeze %dma_start3A_56 : memref<1x79x128xi32, #tpu.memory_space<hbm>> -> memref<79x128xi32, #tpu.memory_space<hbm>>
      %dma_start3A_58 = arith.constant 0 : i32
      %dma_start3A_59 = arith.constant 0 : i32
      %dma_start3A_60 = tpu.memref_slice %arg2[%add3A, %dma_start3A_58, %dma_start3A_59] : memref<32x79x128xi32, #tpu.memory_space<hbm>> -> memref<1x79x128xi32, #tpu.memory_space<hbm>>
      %dma_start3A_61 = tpu.memref_squeeze %dma_start3A_60 : memref<1x79x128xi32, #tpu.memory_space<hbm>> -> memref<79x128xi32, #tpu.memory_space<hbm>>
      tpu.enqueue_dma source(%dma_start3A_61 : memref<79x128xi32, #tpu.memory_space<hbm>>) target(%arg4 : memref<79x128xi32, #tpu.memory_space<vmem>>) target_semaphore(%run_scoped3A : memref<!tpu.dma_semaphore, #tpu.memory_space<semaphore_mem>>)
      %dma_wait3A = arith.constant 0 : i32
      %dma_wait3A_62 = arith.constant 0 : i32
      %dma_wait3A_63 = tpu.memref_slice %arg2[%add3A, %dma_wait3A, %dma_wait3A_62] : memref<32x79x128xi32, #tpu.memory_space<hbm>> -> memref<1x79x128xi32, #tpu.memory_space<hbm>>
      %dma_wait3A_64 = tpu.memref_squeeze %dma_wait3A_63 : memref<1x79x128xi32, #tpu.memory_space<hbm>> -> memref<79x128xi32, #tpu.memory_space<hbm>>
      %dma_wait3A_65 = arith.constant 0 : i32
      %dma_wait3A_66 = arith.constant 0 : i32
      %dma_wait3A_67 = tpu.memref_slice %arg2[%add3A, %dma_wait3A_65, %dma_wait3A_66] : memref<32x79x128xi32, #tpu.memory_space<hbm>> -> memref<1x79x128xi32, #tpu.memory_space<hbm>>
      %dma_wait3A_68 = tpu.memref_squeeze %dma_wait3A_67 : memref<1x79x128xi32, #tpu.memory_space<hbm>> -> memref<79x128xi32, #tpu.memory_space<hbm>>
      tpu.wait_dma2 semaphore(%run_scoped3A : memref<!tpu.dma_semaphore, #tpu.memory_space<semaphore_mem>>) src(%dma_wait3A_68 : memref<79x128xi32, #tpu.memory_space<hbm>>) dst(%arg4 : memref<79x128xi32, #tpu.memory_space<vmem>>)
      tpu.yield
    }) : () -> ()
    %broadcast_in_dim3A = arith.constant 0.000000e+00 : f32
    %broadcast_in_dim3A_1 = vector.broadcast %broadcast_in_dim3A : f32 to vector<16xf32>
    %broadcast_in_dim3A_2 = arith.constant 1.000000e+00 : f32
    %broadcast_in_dim3A_3 = vector.broadcast %broadcast_in_dim3A_2 : f32 to vector<16xf32>
    %scan3A = arith.constant 0 : i32
    %scan3A_4 = arith.constant 0 : i32
    %scan3A_5 = arith.constant 40 : i32
    %scan3A_6 = arith.addi %scan3A_4, %scan3A_5 : i32
    %scan3A_7 = arith.constant 1 : i32
    %scan3A_8 = scf.for %scan3A_55 = %scan3A_4 to %scan3A_6 step %scan3A_7 iter_args(%scan3A_56 = %scan3A) -> (i32)  : i32 {
      %mul3A_57 = arith.constant 16 : i32
      %mul3A_58 = arith.muli %scan3A_55, %mul3A_57 : i32
      %swap3A_59 = arith.index_cast %mul3A_58 : i32 to index
      %swap3A_60 = tpu.vector_load %arg6[%swap3A_59] {strides = array<i32>} : memref<640xf32, #tpu.memory_space<vmem>>, vector<16xf32>,
      %swap3A_61 = vector.shape_cast %swap3A_60 : vector<16xf32> to vector<16xf32>
      %swap3A_62 = vector.shape_cast %broadcast_in_dim3A_1 : vector<16xf32> to vector<16xf32>
      tpu.vector_store %arg6[%swap3A_59], %swap3A_62 {strides = array<i32>} : memref<640xf32, #tpu.memory_space<vmem>>, vector<16xf32>,
      %scan3A_63 = arith.constant 0 : i32
      scf.yield %scan3A_63 : i32
    }
    %scan3A_9 = arith.constant 40 : i32
    %swap3A = arith.constant 0 : index
    %swap3A_10 = tpu.vector_load %arg5[%swap3A] {strides = array<i32>} : memref<128xf32, #tpu.memory_space<vmem>>, vector<16xf32>,
    %swap3A_11 = vector.shape_cast %swap3A_10 : vector<16xf32> to vector<16xf32>
    %swap3A_12 = vector.shape_cast %broadcast_in_dim3A_3 : vector<16xf32> to vector<16xf32>
    tpu.vector_store %arg5[%swap3A], %swap3A_12 {strides = array<i32>} : memref<128xf32, #tpu.memory_space<vmem>>, vector<16xf32>,
    %swap3A_13 = arith.constant 16 : index
    %swap3A_14 = tpu.vector_load %arg5[%swap3A_13] {strides = array<i32>} : memref<128xf32, #tpu.memory_space<vmem>>, vector<16xf32>,
    %swap3A_15 = vector.shape_cast %swap3A_14 : vector<16xf32> to vector<16xf32>
    %swap3A_16 = vector.shape_cast %broadcast_in_dim3A_3 : vector<16xf32> to vector<16xf32>
    tpu.vector_store %arg5[%swap3A_13], %swap3A_16 {strides = array<i32>} : memref<128xf32, #tpu.memory_space<vmem>>, vector<16xf32>,
    %swap3A_17 = arith.constant 32 : index
    %swap3A_18 = tpu.vector_load %arg5[%swap3A_17] {strides = array<i32>} : memref<128xf32, #tpu.memory_space<vmem>>, vector<16xf32>,
    %swap3A_19 = vector.shape_cast %swap3A_18 : vector<16xf32> to vector<16xf32>
    %swap3A_20 = vector.shape_cast %broadcast_in_dim3A_3 : vector<16xf32> to vector<16xf32>
    tpu.vector_store %arg5[%swap3A_17], %swap3A_20 {strides = array<i32>} : memref<128xf32, #tpu.memory_space<vmem>>, vector<16xf32>,
    %swap3A_21 = arith.constant 48 : index
    %swap3A_22 = tpu.vector_load %arg5[%swap3A_21] {strides = array<i32>} : memref<128xf32, #tpu.memory_space<vmem>>, vector<16xf32>,
    %swap3A_23 = vector.shape_cast %swap3A_22 : vector<16xf32> to vector<16xf32>
    %swap3A_24 = vector.shape_cast %broadcast_in_dim3A_3 : vector<16xf32> to vector<16xf32>
    tpu.vector_store %arg5[%swap3A_21], %swap3A_24 {strides = array<i32>} : memref<128xf32, #tpu.memory_space<vmem>>, vector<16xf32>,
    %swap3A_25 = arith.constant 64 : index
    %swap3A_26 = tpu.vector_load %arg5[%swap3A_25] {strides = array<i32>} : memref<128xf32, #tpu.memory_space<vmem>>, vector<16xf32>,
    %swap3A_27 = vector.shape_cast %swap3A_26 : vector<16xf32> to vector<16xf32>
    %swap3A_28 = vector.shape_cast %broadcast_in_dim3A_3 : vector<16xf32> to vector<16xf32>
    tpu.vector_store %arg5[%swap3A_25], %swap3A_28 {strides = array<i32>} : memref<128xf32, #tpu.memory_space<vmem>>, vector<16xf32>,
    %swap3A_29 = arith.constant 80 : index
    %swap3A_30 = tpu.vector_load %arg5[%swap3A_29] {strides = array<i32>} : memref<128xf32, #tpu.memory_space<vmem>>, vector<16xf32>,
    %swap3A_31 = vector.shape_cast %swap3A_30 : vector<16xf32> to vector<16xf32>
    %swap3A_32 = vector.shape_cast %broadcast_in_dim3A_3 : vector<16xf32> to vector<16xf32>
    tpu.vector_store %arg5[%swap3A_29], %swap3A_32 {strides = array<i32>} : memref<128xf32, #tpu.memory_space<vmem>>, vector<16xf32>,
    %swap3A_33 = arith.constant 96 : index
    %swap3A_34 = tpu.vector_load %arg5[%swap3A_33] {strides = array<i32>} : memref<128xf32, #tpu.memory_space<vmem>>, vector<16xf32>,
    %swap3A_35 = vector.shape_cast %swap3A_34 : vector<16xf32> to vector<16xf32>
    %swap3A_36 = vector.shape_cast %broadcast_in_dim3A_3 : vector<16xf32> to vector<16xf32>
    tpu.vector_store %arg5[%swap3A_33], %swap3A_36 {strides = array<i32>} : memref<128xf32, #tpu.memory_space<vmem>>, vector<16xf32>,
    %swap3A_37 = arith.constant 112 : index
    %swap3A_38 = tpu.vector_load %arg5[%swap3A_37] {strides = array<i32>} : memref<128xf32, #tpu.memory_space<vmem>>, vector<16xf32>,
    %swap3A_39 = vector.shape_cast %swap3A_38 : vector<16xf32> to vector<16xf32>
    %swap3A_40 = vector.shape_cast %broadcast_in_dim3A_3 : vector<16xf32> to vector<16xf32>
    tpu.vector_store %arg5[%swap3A_37], %swap3A_40 {strides = array<i32>} : memref<128xf32, #tpu.memory_space<vmem>>, vector<16xf32>,
    %mul3A_41 = arith.constant 640 : i32
    %mul3A_42 = arith.muli %arg1, %mul3A_41 : i32
    "tpu.region"() ({
      %run_scoped3A = tpu.sem_alloc : memref<!tpu.dma_semaphore, #tpu.memory_space<semaphore_mem>>
      %dma_start3A = tpu.memref_slice %arg7[%mul3A_42] : memref<10240xf32, #tpu.memory_space<vmem_shared>> -> memref<640xf32, #tpu.memory_space<vmem_shared>>
      %dma_start3A_55 = tpu.memref_slice %arg7[%mul3A_42] : memref<10240xf32, #tpu.memory_space<vmem_shared>> -> memref<640xf32, #tpu.memory_space<vmem_shared>>
      tpu.enqueue_dma source(%arg6 : memref<640xf32, #tpu.memory_space<vmem>>) target(%dma_start3A_55 : memref<640xf32, #tpu.memory_space<vmem_shared>>) target_semaphore(%run_scoped3A : memref<!tpu.dma_semaphore, #tpu.memory_space<semaphore_mem>>)
      %dma_wait3A = tpu.memref_slice %arg7[%mul3A_42] : memref<10240xf32, #tpu.memory_space<vmem_shared>> -> memref<640xf32, #tpu.memory_space<vmem_shared>>
      %dma_wait3A_56 = tpu.memref_slice %arg7[%mul3A_42] : memref<10240xf32, #tpu.memory_space<vmem_shared>> -> memref<640xf32, #tpu.memory_space<vmem_shared>>
      tpu.wait_dma2 semaphore(%run_scoped3A : memref<!tpu.dma_semaphore, #tpu.memory_space<semaphore_mem>>) src(%arg6 : memref<640xf32, #tpu.memory_space<vmem>>) dst(%dma_wait3A_56 : memref<640xf32, #tpu.memory_space<vmem_shared>>)
      tpu.yield
    }) : () -> ()
    %barrier3A = arith.constant 0 : index
    tpu.barrier barrier_id(%barrier3A)
    %scan3A_43 = arith.constant 0 : i32
    %scan3A_44 = arith.constant 0 : i32
    %scan3A_45 = arith.constant 79 : i32
    %scan3A_46 = arith.addi %scan3A_44, %scan3A_45 : i32
    %scan3A_47 = arith.constant 1 : i32
    %scan3A_48 = scf.for %scan3A_55 = %scan3A_44 to %scan3A_46 step %scan3A_47 iter_args(%scan3A_56 = %scan3A_43) -> (i32)  : i32 {
      "tpu.region"() ({
        %run_scoped3A = tpu.sem_alloc : memref<!tpu.dma_semaphore, #tpu.memory_space<semaphore_mem>>
        %dma_start3A = arith.constant 0 : i32
        %dma_start3A_58 = tpu.memref_slice %arg4[%scan3A_55, %dma_start3A] : memref<79x128xi32, #tpu.memory_space<vmem>> -> memref<1x128xi32, #tpu.memory_space<vmem>>
        %dma_start3A_59 = tpu.memref_squeeze %dma_start3A_58 : memref<1x128xi32, #tpu.memory_space<vmem>> -> memref<128xi32, #tpu.memory_space<vmem>>
        %dma_start3A_60 = arith.constant 0 : i32
        %dma_start3A_61 = tpu.memref_slice %arg7[%dma_start3A_60] : memref<10240xf32, #tpu.memory_space<vmem_shared>> -> memref<10240xf32, #tpu.memory_space<vmem_shared>>
        tpu.enqueue_indirect_dma source(%arg5 : memref<128xf32, #tpu.memory_space<vmem>>) target(%dma_start3A_61 : memref<10240xf32, #tpu.memory_space<vmem_shared>>) offsets(%dma_start3A_59 : memref<128xi32, #tpu.memory_space<vmem>>) semaphore(%run_scoped3A : memref<!tpu.dma_semaphore, #tpu.memory_space<semaphore_mem>>) {add = true}
        %dma_wait3A = arith.constant 0 : i32
        %dma_wait3A_62 = tpu.memref_slice %arg4[%scan3A_55, %dma_wait3A] : memref<79x128xi32, #tpu.memory_space<vmem>> -> memref<1x128xi32, #tpu.memory_space<vmem>>
        %dma_wait3A_63 = tpu.memref_squeeze %dma_wait3A_62 : memref<1x128xi32, #tpu.memory_space<vmem>> -> memref<128xi32, #tpu.memory_space<vmem>>
        %dma_wait3A_64 = arith.constant 0 : i32
        %dma_wait3A_65 = tpu.memref_slice %arg7[%dma_wait3A_64] : memref<10240xf32, #tpu.memory_space<vmem_shared>> -> memref<10240xf32, #tpu.memory_space<vmem_shared>>
        tpu.wait_indirect_dma semaphore(%run_scoped3A : memref<!tpu.dma_semaphore, #tpu.memory_space<semaphore_mem>>) src(%arg5 : memref<128xf32, #tpu.memory_space<vmem>>) dst(%dma_wait3A_65 : memref<10240xf32, #tpu.memory_space<vmem_shared>>)
        tpu.yield
      }) : () -> ()
      %scan3A_57 = arith.constant 0 : i32
      scf.yield %scan3A_57 : i32
    }
    %scan3A_49 = arith.constant 79 : i32
    %barrier3A_50 = arith.constant 0 : index
    tpu.barrier barrier_id(%barrier3A_50)
    %mul3A_51 = arith.constant 640 : i32
    %mul3A_52 = arith.muli %arg1, %mul3A_51 : i32
    %mul3A_53 = arith.constant 640 : i32
    %mul3A_54 = arith.muli %arg1, %mul3A_53 : i32
    "tpu.region"() ({
      %run_scoped3A = tpu.sem_alloc : memref<!tpu.dma_semaphore, #tpu.memory_space<semaphore_mem>>
      %dma_start3A = tpu.memref_slice %arg3[%arg0, %mul3A_54] : memref<2x10240xf32, #tpu.memory_space<hbm>> -> memref<1x640xf32, #tpu.memory_space<hbm>>
      %dma_start3A_55 = tpu.memref_squeeze %dma_start3A : memref<1x640xf32, #tpu.memory_space<hbm>> -> memref<640xf32, #tpu.memory_space<hbm>>
      %dma_start3A_56 = tpu.memref_slice %arg7[%mul3A_52] : memref<10240xf32, #tpu.memory_space<vmem_shared>> -> memref<640xf32, #tpu.memory_space<vmem_shared>>
      tpu.enqueue_dma source(%dma_start3A_56 : memref<640xf32, #tpu.memory_space<vmem_shared>>) target(%dma_start3A_55 : memref<640xf32, #tpu.memory_space<hbm>>) target_semaphore(%run_scoped3A : memref<!tpu.dma_semaphore, #tpu.memory_space<semaphore_mem>>)
      %dma_wait3A = tpu.memref_slice %arg3[%arg0, %mul3A_54] : memref<2x10240xf32, #tpu.memory_space<hbm>> -> memref<1x640xf32, #tpu.memory_space<hbm>>
      %dma_wait3A_57 = tpu.memref_squeeze %dma_wait3A : memref<1x640xf32, #tpu.memory_space<hbm>> -> memref<640xf32, #tpu.memory_space<hbm>>
      %dma_wait3A_58 = tpu.memref_slice %arg7[%mul3A_52] : memref<10240xf32, #tpu.memory_space<vmem_shared>> -> memref<640xf32, #tpu.memory_space<vmem_shared>>
      tpu.wait_dma2 semaphore(%run_scoped3A : memref<!tpu.dma_semaphore, #tpu.memory_space<semaphore_mem>>) src(%dma_wait3A_58 : memref<640xf32, #tpu.memory_space<vmem_shared>>) dst(%dma_wait3A_57 : memref<640xf32, #tpu.memory_space<hbm>>)
      tpu.yield
    }) : () -> ()
    return
  }
}

#map = affine_map<(d0, d1) -> (0, 0, 0)>
#map1 = affine_map<(d0, d1) -> (0, 0)>
#map2 = affine_map<(d0, d1) -> (0)>
module attributes {stable_mosaic.version = 14 : i64} {
  func.func @edge_k(%arg0: i32, %arg1: i32, %arg2: memref<32x79x128xi32, #tpu.memory_space<hbm>>, %arg3: memref<32x79x128xi32, #tpu.memory_space<hbm>>, %arg4: memref<10240x128xf32, #tpu.memory_space<hbm>>, %arg5: memref<10240xf32, #tpu.memory_space<hbm>>, %arg6: memref<2x10240x128xf32, #tpu.memory_space<hbm>>, %arg7: memref<2x10240xf32, #tpu.memory_space<hbm>>, %arg8: memref<79x128xi32, #tpu.memory_space<vmem>>, %arg9: memref<79x128xi32, #tpu.memory_space<vmem>>, %arg10: memref<128x128xf32, #tpu.memory_space<vmem>>, %arg11: memref<128xf32, #tpu.memory_space<vmem>>, %arg12: memref<10240x128xf32, #tpu.memory_space<vmem_shared>>, %arg13: memref<10240xf32, #tpu.memory_space<vmem_shared>>, %arg14: memref<!tpu.dma_semaphore, #tpu.memory_space<semaphore_mem>>, %arg15: memref<!tpu.dma_semaphore, #tpu.memory_space<semaphore_mem>>) attributes {dimension_semantics = [#tpu.dimension_semantics<core_parallel>, #tpu.dimension_semantics<subcore_parallel>], iteration_bounds = array<i64: 2, 16>, scalar_prefetch = 0 : i64, scratch_operands = 8 : i64, tpu.core_type = #tpu.core_type<sc_vector_subcore>, window_params = [{transform_indices = #map}, {transform_indices = #map}, {transform_indices = #map1}, {transform_indices = #map2}, {transform_indices = #map}, {transform_indices = #map1}]} {
    %mul3A = arith.constant 16 : i32
    %mul3A_0 = arith.muli %arg0, %mul3A : i32
    %add3A = arith.addi %mul3A_0, %arg1 : i32
    "tpu.region"() ({
      %run_scoped3A = tpu.sem_alloc : memref<!tpu.dma_semaphore, #tpu.memory_space<semaphore_mem>>
      %dma_start3A = arith.constant 0 : i32
      %dma_start3A_95 = arith.constant 0 : i32
      %dma_start3A_96 = tpu.memref_slice %arg2[%add3A, %dma_start3A, %dma_start3A_95] : memref<32x79x128xi32, #tpu.memory_space<hbm>> -> memref<1x79x128xi32, #tpu.memory_space<hbm>>
      %dma_start3A_97 = tpu.memref_squeeze %dma_start3A_96 : memref<1x79x128xi32, #tpu.memory_space<hbm>> -> memref<79x128xi32, #tpu.memory_space<hbm>>
      %dma_start3A_98 = arith.constant 0 : i32
      %dma_start3A_99 = arith.constant 0 : i32
      %dma_start3A_100 = tpu.memref_slice %arg2[%add3A, %dma_start3A_98, %dma_start3A_99] : memref<32x79x128xi32, #tpu.memory_space<hbm>> -> memref<1x79x128xi32, #tpu.memory_space<hbm>>
      %dma_start3A_101 = tpu.memref_squeeze %dma_start3A_100 : memref<1x79x128xi32, #tpu.memory_space<hbm>> -> memref<79x128xi32, #tpu.memory_space<hbm>>
      tpu.enqueue_dma source(%dma_start3A_101 : memref<79x128xi32, #tpu.memory_space<hbm>>) target(%arg8 : memref<79x128xi32, #tpu.memory_space<vmem>>) target_semaphore(%run_scoped3A : memref<!tpu.dma_semaphore, #tpu.memory_space<semaphore_mem>>)
      %dma_wait3A = arith.constant 0 : i32
      %dma_wait3A_102 = arith.constant 0 : i32
      %dma_wait3A_103 = tpu.memref_slice %arg2[%add3A, %dma_wait3A, %dma_wait3A_102] : memref<32x79x128xi32, #tpu.memory_space<hbm>> -> memref<1x79x128xi32, #tpu.memory_space<hbm>>
      %dma_wait3A_104 = tpu.memref_squeeze %dma_wait3A_103 : memref<1x79x128xi32, #tpu.memory_space<hbm>> -> memref<79x128xi32, #tpu.memory_space<hbm>>
      %dma_wait3A_105 = arith.constant 0 : i32
      %dma_wait3A_106 = arith.constant 0 : i32
      %dma_wait3A_107 = tpu.memref_slice %arg2[%add3A, %dma_wait3A_105, %dma_wait3A_106] : memref<32x79x128xi32, #tpu.memory_space<hbm>> -> memref<1x79x128xi32, #tpu.memory_space<hbm>>
      %dma_wait3A_108 = tpu.memref_squeeze %dma_wait3A_107 : memref<1x79x128xi32, #tpu.memory_space<hbm>> -> memref<79x128xi32, #tpu.memory_space<hbm>>
      tpu.wait_dma2 semaphore(%run_scoped3A : memref<!tpu.dma_semaphore, #tpu.memory_space<semaphore_mem>>) src(%dma_wait3A_108 : memref<79x128xi32, #tpu.memory_space<hbm>>) dst(%arg8 : memref<79x128xi32, #tpu.memory_space<vmem>>)
      tpu.yield
    }) : () -> ()
    "tpu.region"() ({
      %run_scoped3A = tpu.sem_alloc : memref<!tpu.dma_semaphore, #tpu.memory_space<semaphore_mem>>
      %dma_start3A = arith.constant 0 : i32
      %dma_start3A_95 = arith.constant 0 : i32
      %dma_start3A_96 = tpu.memref_slice %arg3[%add3A, %dma_start3A, %dma_start3A_95] : memref<32x79x128xi32, #tpu.memory_space<hbm>> -> memref<1x79x128xi32, #tpu.memory_space<hbm>>
      %dma_start3A_97 = tpu.memref_squeeze %dma_start3A_96 : memref<1x79x128xi32, #tpu.memory_space<hbm>> -> memref<79x128xi32, #tpu.memory_space<hbm>>
      %dma_start3A_98 = arith.constant 0 : i32
      %dma_start3A_99 = arith.constant 0 : i32
      %dma_start3A_100 = tpu.memref_slice %arg3[%add3A, %dma_start3A_98, %dma_start3A_99] : memref<32x79x128xi32, #tpu.memory_space<hbm>> -> memref<1x79x128xi32, #tpu.memory_space<hbm>>
      %dma_start3A_101 = tpu.memref_squeeze %dma_start3A_100 : memref<1x79x128xi32, #tpu.memory_space<hbm>> -> memref<79x128xi32, #tpu.memory_space<hbm>>
      tpu.enqueue_dma source(%dma_start3A_101 : memref<79x128xi32, #tpu.memory_space<hbm>>) target(%arg9 : memref<79x128xi32, #tpu.memory_space<vmem>>) target_semaphore(%run_scoped3A : memref<!tpu.dma_semaphore, #tpu.memory_space<semaphore_mem>>)
      %dma_wait3A = arith.constant 0 : i32
      %dma_wait3A_102 = arith.constant 0 : i32
      %dma_wait3A_103 = tpu.memref_slice %arg3[%add3A, %dma_wait3A, %dma_wait3A_102] : memref<32x79x128xi32, #tpu.memory_space<hbm>> -> memref<1x79x128xi32, #tpu.memory_space<hbm>>
      %dma_wait3A_104 = tpu.memref_squeeze %dma_wait3A_103 : memref<1x79x128xi32, #tpu.memory_space<hbm>> -> memref<79x128xi32, #tpu.memory_space<hbm>>
      %dma_wait3A_105 = arith.constant 0 : i32
      %dma_wait3A_106 = arith.constant 0 : i32
      %dma_wait3A_107 = tpu.memref_slice %arg3[%add3A, %dma_wait3A_105, %dma_wait3A_106] : memref<32x79x128xi32, #tpu.memory_space<hbm>> -> memref<1x79x128xi32, #tpu.memory_space<hbm>>
      %dma_wait3A_108 = tpu.memref_squeeze %dma_wait3A_107 : memref<1x79x128xi32, #tpu.memory_space<hbm>> -> memref<79x128xi32, #tpu.memory_space<hbm>>
      tpu.wait_dma2 semaphore(%run_scoped3A : memref<!tpu.dma_semaphore, #tpu.memory_space<semaphore_mem>>) src(%dma_wait3A_108 : memref<79x128xi32, #tpu.memory_space<hbm>>) dst(%arg9 : memref<79x128xi32, #tpu.memory_space<vmem>>)
      tpu.yield
    }) : () -> ()
    %broadcast_in_dim3A = arith.constant 0.000000e+00 : f32
    %broadcast_in_dim3A_1 = vector.broadcast %broadcast_in_dim3A : f32 to vector<16xf32>
    %scan3A = arith.constant 0 : i32
    %scan3A_2 = arith.constant 0 : i32
    %scan3A_3 = arith.constant 128 : i32
    %scan3A_4 = arith.addi %scan3A_2, %scan3A_3 : i32
    %scan3A_5 = arith.constant 1 : i32
    %scan3A_6 = scf.for %scan3A_95 = %scan3A_2 to %scan3A_4 step %scan3A_5 iter_args(%scan3A_96 = %scan3A) -> (i32)  : i32 {
      %swap3A_97 = arith.index_cast %scan3A_95 : i32 to index
      %swap3A_98 = arith.constant 0 : index
      %swap3A_99 = tpu.vector_load %arg10[%swap3A_97, %swap3A_98] {strides = array<i32>} : memref<128x128xf32, #tpu.memory_space<vmem>>, vector<1x16xf32>,
      %swap3A_100 = vector.shape_cast %swap3A_99 : vector<1x16xf32> to vector<16xf32>
      %swap3A_101 = vector.shape_cast %broadcast_in_dim3A_1 : vector<16xf32> to vector<1x16xf32>
      tpu.vector_store %arg10[%swap3A_97, %swap3A_98], %swap3A_101 {strides = array<i32>} : memref<128x128xf32, #tpu.memory_space<vmem>>, vector<1x16xf32>,
      %swap3A_102 = arith.index_cast %scan3A_95 : i32 to index
      %swap3A_103 = arith.constant 16 : index
      %swap3A_104 = tpu.vector_load %arg10[%swap3A_102, %swap3A_103] {strides = array<i32>} : memref<128x128xf32, #tpu.memory_space<vmem>>, vector<1x16xf32>,
      %swap3A_105 = vector.shape_cast %swap3A_104 : vector<1x16xf32> to vector<16xf32>
      %swap3A_106 = vector.shape_cast %broadcast_in_dim3A_1 : vector<16xf32> to vector<1x16xf32>
      tpu.vector_store %arg10[%swap3A_102, %swap3A_103], %swap3A_106 {strides = array<i32>} : memref<128x128xf32, #tpu.memory_space<vmem>>, vector<1x16xf32>,
      %swap3A_107 = arith.index_cast %scan3A_95 : i32 to index
      %swap3A_108 = arith.constant 32 : index
      %swap3A_109 = tpu.vector_load %arg10[%swap3A_107, %swap3A_108] {strides = array<i32>} : memref<128x128xf32, #tpu.memory_space<vmem>>, vector<1x16xf32>,
      %swap3A_110 = vector.shape_cast %swap3A_109 : vector<1x16xf32> to vector<16xf32>
      %swap3A_111 = vector.shape_cast %broadcast_in_dim3A_1 : vector<16xf32> to vector<1x16xf32>
      tpu.vector_store %arg10[%swap3A_107, %swap3A_108], %swap3A_111 {strides = array<i32>} : memref<128x128xf32, #tpu.memory_space<vmem>>, vector<1x16xf32>,
      %swap3A_112 = arith.index_cast %scan3A_95 : i32 to index
      %swap3A_113 = arith.constant 48 : index
      %swap3A_114 = tpu.vector_load %arg10[%swap3A_112, %swap3A_113] {strides = array<i32>} : memref<128x128xf32, #tpu.memory_space<vmem>>, vector<1x16xf32>,
      %swap3A_115 = vector.shape_cast %swap3A_114 : vector<1x16xf32> to vector<16xf32>
      %swap3A_116 = vector.shape_cast %broadcast_in_dim3A_1 : vector<16xf32> to vector<1x16xf32>
      tpu.vector_store %arg10[%swap3A_112, %swap3A_113], %swap3A_116 {strides = array<i32>} : memref<128x128xf32, #tpu.memory_space<vmem>>, vector<1x16xf32>,
      %swap3A_117 = arith.index_cast %scan3A_95 : i32 to index
      %swap3A_118 = arith.constant 64 : index
      %swap3A_119 = tpu.vector_load %arg10[%swap3A_117, %swap3A_118] {strides = array<i32>} : memref<128x128xf32, #tpu.memory_space<vmem>>, vector<1x16xf32>,
      %swap3A_120 = vector.shape_cast %swap3A_119 : vector<1x16xf32> to vector<16xf32>
      %swap3A_121 = vector.shape_cast %broadcast_in_dim3A_1 : vector<16xf32> to vector<1x16xf32>
      tpu.vector_store %arg10[%swap3A_117, %swap3A_118], %swap3A_121 {strides = array<i32>} : memref<128x128xf32, #tpu.memory_space<vmem>>, vector<1x16xf32>,
      %swap3A_122 = arith.index_cast %scan3A_95 : i32 to index
      %swap3A_123 = arith.constant 80 : index
      %swap3A_124 = tpu.vector_load %arg10[%swap3A_122, %swap3A_123] {strides = array<i32>} : memref<128x128xf32, #tpu.memory_space<vmem>>, vector<1x16xf32>,
      %swap3A_125 = vector.shape_cast %swap3A_124 : vector<1x16xf32> to vector<16xf32>
      %swap3A_126 = vector.shape_cast %broadcast_in_dim3A_1 : vector<16xf32> to vector<1x16xf32>
      tpu.vector_store %arg10[%swap3A_122, %swap3A_123], %swap3A_126 {strides = array<i32>} : memref<128x128xf32, #tpu.memory_space<vmem>>, vector<1x16xf32>,
      %swap3A_127 = arith.index_cast %scan3A_95 : i32 to index
      %swap3A_128 = arith.constant 96 : index
      %swap3A_129 = tpu.vector_load %arg10[%swap3A_127, %swap3A_128] {strides = array<i32>} : memref<128x128xf32, #tpu.memory_space<vmem>>, vector<1x16xf32>,
      %swap3A_130 = vector.shape_cast %swap3A_129 : vector<1x16xf32> to vector<16xf32>
      %swap3A_131 = vector.shape_cast %broadcast_in_dim3A_1 : vector<16xf32> to vector<1x16xf32>
      tpu.vector_store %arg10[%swap3A_127, %swap3A_128], %swap3A_131 {strides = array<i32>} : memref<128x128xf32, #tpu.memory_space<vmem>>, vector<1x16xf32>,
      %swap3A_132 = arith.index_cast %scan3A_95 : i32 to index
      %swap3A_133 = arith.constant 112 : index
      %swap3A_134 = tpu.vector_load %arg10[%swap3A_132, %swap3A_133] {strides = array<i32>} : memref<128x128xf32, #tpu.memory_space<vmem>>, vector<1x16xf32>,
      %swap3A_135 = vector.shape_cast %swap3A_134 : vector<1x16xf32> to vector<16xf32>
      %swap3A_136 = vector.shape_cast %broadcast_in_dim3A_1 : vector<16xf32> to vector<1x16xf32>
      tpu.vector_store %arg10[%swap3A_132, %swap3A_133], %swap3A_136 {strides = array<i32>} : memref<128x128xf32, #tpu.memory_space<vmem>>, vector<1x16xf32>,
      %scan3A_137 = arith.constant 0 : i32
      scf.yield %scan3A_137 : i32
    }
    %scan3A_7 = arith.constant 128 : i32
    %swap3A = arith.constant 0 : index
    %swap3A_8 = tpu.vector_load %arg11[%swap3A] {strides = array<i32>} : memref<128xf32, #tpu.memory_space<vmem>>, vector<16xf32>,
    %swap3A_9 = vector.shape_cast %swap3A_8 : vector<16xf32> to vector<16xf32>
    %swap3A_10 = vector.shape_cast %broadcast_in_dim3A_1 : vector<16xf32> to vector<16xf32>
    tpu.vector_store %arg11[%swap3A], %swap3A_10 {strides = array<i32>} : memref<128xf32, #tpu.memory_space<vmem>>, vector<16xf32>,
    %swap3A_11 = arith.constant 16 : index
    %swap3A_12 = tpu.vector_load %arg11[%swap3A_11] {strides = array<i32>} : memref<128xf32, #tpu.memory_space<vmem>>, vector<16xf32>,
    %swap3A_13 = vector.shape_cast %swap3A_12 : vector<16xf32> to vector<16xf32>
    %swap3A_14 = vector.shape_cast %broadcast_in_dim3A_1 : vector<16xf32> to vector<16xf32>
    tpu.vector_store %arg11[%swap3A_11], %swap3A_14 {strides = array<i32>} : memref<128xf32, #tpu.memory_space<vmem>>, vector<16xf32>,
    %swap3A_15 = arith.constant 32 : index
    %swap3A_16 = tpu.vector_load %arg11[%swap3A_15] {strides = array<i32>} : memref<128xf32, #tpu.memory_space<vmem>>, vector<16xf32>,
    %swap3A_17 = vector.shape_cast %swap3A_16 : vector<16xf32> to vector<16xf32>
    %swap3A_18 = vector.shape_cast %broadcast_in_dim3A_1 : vector<16xf32> to vector<16xf32>
    tpu.vector_store %arg11[%swap3A_15], %swap3A_18 {strides = array<i32>} : memref<128xf32, #tpu.memory_space<vmem>>, vector<16xf32>,
    %swap3A_19 = arith.constant 48 : index
    %swap3A_20 = tpu.vector_load %arg11[%swap3A_19] {strides = array<i32>} : memref<128xf32, #tpu.memory_space<vmem>>, vector<16xf32>,
    %swap3A_21 = vector.shape_cast %swap3A_20 : vector<16xf32> to vector<16xf32>
    %swap3A_22 = vector.shape_cast %broadcast_in_dim3A_1 : vector<16xf32> to vector<16xf32>
    tpu.vector_store %arg11[%swap3A_19], %swap3A_22 {strides = array<i32>} : memref<128xf32, #tpu.memory_space<vmem>>, vector<16xf32>,
    %swap3A_23 = arith.constant 64 : index
    %swap3A_24 = tpu.vector_load %arg11[%swap3A_23] {strides = array<i32>} : memref<128xf32, #tpu.memory_space<vmem>>, vector<16xf32>,
    %swap3A_25 = vector.shape_cast %swap3A_24 : vector<16xf32> to vector<16xf32>
    %swap3A_26 = vector.shape_cast %broadcast_in_dim3A_1 : vector<16xf32> to vector<16xf32>
    tpu.vector_store %arg11[%swap3A_23], %swap3A_26 {strides = array<i32>} : memref<128xf32, #tpu.memory_space<vmem>>, vector<16xf32>,
    %swap3A_27 = arith.constant 80 : index
    %swap3A_28 = tpu.vector_load %arg11[%swap3A_27] {strides = array<i32>} : memref<128xf32, #tpu.memory_space<vmem>>, vector<16xf32>,
    %swap3A_29 = vector.shape_cast %swap3A_28 : vector<16xf32> to vector<16xf32>
    %swap3A_30 = vector.shape_cast %broadcast_in_dim3A_1 : vector<16xf32> to vector<16xf32>
    tpu.vector_store %arg11[%swap3A_27], %swap3A_30 {strides = array<i32>} : memref<128xf32, #tpu.memory_space<vmem>>, vector<16xf32>,
    %swap3A_31 = arith.constant 96 : index
    %swap3A_32 = tpu.vector_load %arg11[%swap3A_31] {strides = array<i32>} : memref<128xf32, #tpu.memory_space<vmem>>, vector<16xf32>,
    %swap3A_33 = vector.shape_cast %swap3A_32 : vector<16xf32> to vector<16xf32>
    %swap3A_34 = vector.shape_cast %broadcast_in_dim3A_1 : vector<16xf32> to vector<16xf32>
    tpu.vector_store %arg11[%swap3A_31], %swap3A_34 {strides = array<i32>} : memref<128xf32, #tpu.memory_space<vmem>>, vector<16xf32>,
    %swap3A_35 = arith.constant 112 : index
    %swap3A_36 = tpu.vector_load %arg11[%swap3A_35] {strides = array<i32>} : memref<128xf32, #tpu.memory_space<vmem>>, vector<16xf32>,
    %swap3A_37 = vector.shape_cast %swap3A_36 : vector<16xf32> to vector<16xf32>
    %swap3A_38 = vector.shape_cast %broadcast_in_dim3A_1 : vector<16xf32> to vector<16xf32>
    tpu.vector_store %arg11[%swap3A_35], %swap3A_38 {strides = array<i32>} : memref<128xf32, #tpu.memory_space<vmem>>, vector<16xf32>,
    %mul3A_39 = arith.constant 640 : i32
    %mul3A_40 = arith.muli %arg1, %mul3A_39 : i32
    %add3A_41 = arith.constant 0 : i32
    %add3A_42 = arith.addi %mul3A_40, %add3A_41 : i32
    "tpu.region"() ({
      %run_scoped3A = tpu.sem_alloc : memref<!tpu.dma_semaphore, #tpu.memory_space<semaphore_mem>>
      %dma_start3A = arith.constant 0 : i32
      %dma_start3A_95 = tpu.memref_slice %arg12[%add3A_42, %dma_start3A] : memref<10240x128xf32, #tpu.memory_space<vmem_shared>> -> memref<128x128xf32, #tpu.memory_space<vmem_shared>>
      %dma_start3A_96 = arith.constant 0 : i32
      %dma_start3A_97 = tpu.memref_slice %arg12[%add3A_42, %dma_start3A_96] : memref<10240x128xf32, #tpu.memory_space<vmem_shared>> -> memref<128x128xf32, #tpu.memory_space<vmem_shared>>
      tpu.enqueue_dma source(%arg10 : memref<128x128xf32, #tpu.memory_space<vmem>>) target(%dma_start3A_97 : memref<128x128xf32, #tpu.memory_space<vmem_shared>>) target_semaphore(%run_scoped3A : memref<!tpu.dma_semaphore, #tpu.memory_space<semaphore_mem>>)
      %dma_wait3A = arith.constant 0 : i32
      %dma_wait3A_98 = tpu.memref_slice %arg12[%add3A_42, %dma_wait3A] : memref<10240x128xf32, #tpu.memory_space<vmem_shared>> -> memref<128x128xf32, #tpu.memory_space<vmem_shared>>
      %dma_wait3A_99 = arith.constant 0 : i32
      %dma_wait3A_100 = tpu.memref_slice %arg12[%add3A_42, %dma_wait3A_99] : memref<10240x128xf32, #tpu.memory_space<vmem_shared>> -> memref<128x128xf32, #tpu.memory_space<vmem_shared>>
      tpu.wait_dma2 semaphore(%run_scoped3A : memref<!tpu.dma_semaphore, #tpu.memory_space<semaphore_mem>>) src(%arg10 : memref<128x128xf32, #tpu.memory_space<vmem>>) dst(%dma_wait3A_100 : memref<128x128xf32, #tpu.memory_space<vmem_shared>>)
      tpu.yield
    }) : () -> ()
    %mul3A_43 = arith.constant 640 : i32
    %mul3A_44 = arith.muli %arg1, %mul3A_43 : i32
    %add3A_45 = arith.constant 0 : i32
    %add3A_46 = arith.addi %mul3A_44, %add3A_45 : i32
    "tpu.region"() ({
      %run_scoped3A = tpu.sem_alloc : memref<!tpu.dma_semaphore, #tpu.memory_space<semaphore_mem>>
      %dma_start3A = tpu.memref_slice %arg13[%add3A_46] : memref<10240xf32, #tpu.memory_space<vmem_shared>> -> memref<128xf32, #tpu.memory_space<vmem_shared>>
      %dma_start3A_95 = tpu.memref_slice %arg13[%add3A_46] : memref<10240xf32, #tpu.memory_space<vmem_shared>> -> memref<128xf32, #tpu.memory_space<vmem_shared>>
      tpu.enqueue_dma source(%arg11 : memref<128xf32, #tpu.memory_space<vmem>>) target(%dma_start3A_95 : memref<128xf32, #tpu.memory_space<vmem_shared>>) target_semaphore(%run_scoped3A : memref<!tpu.dma_semaphore, #tpu.memory_space<semaphore_mem>>)
      %dma_wait3A = tpu.memref_slice %arg13[%add3A_46] : memref<10240xf32, #tpu.memory_space<vmem_shared>> -> memref<128xf32, #tpu.memory_space<vmem_shared>>
      %dma_wait3A_96 = tpu.memref_slice %arg13[%add3A_46] : memref<10240xf32, #tpu.memory_space<vmem_shared>> -> memref<128xf32, #tpu.memory_space<vmem_shared>>
      tpu.wait_dma2 semaphore(%run_scoped3A : memref<!tpu.dma_semaphore, #tpu.memory_space<semaphore_mem>>) src(%arg11 : memref<128xf32, #tpu.memory_space<vmem>>) dst(%dma_wait3A_96 : memref<128xf32, #tpu.memory_space<vmem_shared>>)
      tpu.yield
    }) : () -> ()
    %mul3A_47 = arith.constant 640 : i32
    %mul3A_48 = arith.muli %arg1, %mul3A_47 : i32
    %add3A_49 = arith.constant 128 : i32
    %add3A_50 = arith.addi %mul3A_48, %add3A_49 : i32
    "tpu.region"() ({
      %run_scoped3A = tpu.sem_alloc : memref<!tpu.dma_semaphore, #tpu.memory_space<semaphore_mem>>
      %dma_start3A = arith.constant 0 : i32
      %dma_start3A_95 = tpu.memref_slice %arg12[%add3A_50, %dma_start3A] : memref<10240x128xf32, #tpu.memory_space<vmem_shared>> -> memref<128x128xf32, #tpu.memory_space<vmem_shared>>
      %dma_start3A_96 = arith.constant 0 : i32
      %dma_start3A_97 = tpu.memref_slice %arg12[%add3A_50, %dma_start3A_96] : memref<10240x128xf32, #tpu.memory_space<vmem_shared>> -> memref<128x128xf32, #tpu.memory_space<vmem_shared>>
      tpu.enqueue_dma source(%arg10 : memref<128x128xf32, #tpu.memory_space<vmem>>) target(%dma_start3A_97 : memref<128x128xf32, #tpu.memory_space<vmem_shared>>) target_semaphore(%run_scoped3A : memref<!tpu.dma_semaphore, #tpu.memory_space<semaphore_mem>>)
      %dma_wait3A = arith.constant 0 : i32
      %dma_wait3A_98 = tpu.memref_slice %arg12[%add3A_50, %dma_wait3A] : memref<10240x128xf32, #tpu.memory_space<vmem_shared>> -> memref<128x128xf32, #tpu.memory_space<vmem_shared>>
      %dma_wait3A_99 = arith.constant 0 : i32
      %dma_wait3A_100 = tpu.memref_slice %arg12[%add3A_50, %dma_wait3A_99] : memref<10240x128xf32, #tpu.memory_space<vmem_shared>> -> memref<128x128xf32, #tpu.memory_space<vmem_shared>>
      tpu.wait_dma2 semaphore(%run_scoped3A : memref<!tpu.dma_semaphore, #tpu.memory_space<semaphore_mem>>) src(%arg10 : memref<128x128xf32, #tpu.memory_space<vmem>>) dst(%dma_wait3A_100 : memref<128x128xf32, #tpu.memory_space<vmem_shared>>)
      tpu.yield
    }) : () -> ()
    %mul3A_51 = arith.constant 640 : i32
    %mul3A_52 = arith.muli %arg1, %mul3A_51 : i32
    %add3A_53 = arith.constant 128 : i32
    %add3A_54 = arith.addi %mul3A_52, %add3A_53 : i32
    "tpu.region"() ({
      %run_scoped3A = tpu.sem_alloc : memref<!tpu.dma_semaphore, #tpu.memory_space<semaphore_mem>>
      %dma_start3A = tpu.memref_slice %arg13[%add3A_54] : memref<10240xf32, #tpu.memory_space<vmem_shared>> -> memref<128xf32, #tpu.memory_space<vmem_shared>>
      %dma_start3A_95 = tpu.memref_slice %arg13[%add3A_54] : memref<10240xf32, #tpu.memory_space<vmem_shared>> -> memref<128xf32, #tpu.memory_space<vmem_shared>>
      tpu.enqueue_dma source(%arg11 : memref<128xf32, #tpu.memory_space<vmem>>) target(%dma_start3A_95 : memref<128xf32, #tpu.memory_space<vmem_shared>>) target_semaphore(%run_scoped3A : memref<!tpu.dma_semaphore, #tpu.memory_space<semaphore_mem>>)
      %dma_wait3A = tpu.memref_slice %arg13[%add3A_54] : memref<10240xf32, #tpu.memory_space<vmem_shared>> -> memref<128xf32, #tpu.memory_space<vmem_shared>>
      %dma_wait3A_96 = tpu.memref_slice %arg13[%add3A_54] : memref<10240xf32, #tpu.memory_space<vmem_shared>> -> memref<128xf32, #tpu.memory_space<vmem_shared>>
      tpu.wait_dma2 semaphore(%run_scoped3A : memref<!tpu.dma_semaphore, #tpu.memory_space<semaphore_mem>>) src(%arg11 : memref<128xf32, #tpu.memory_space<vmem>>) dst(%dma_wait3A_96 : memref<128xf32, #tpu.memory_space<vmem_shared>>)
      tpu.yield
    }) : () -> ()
    %mul3A_55 = arith.constant 640 : i32
    %mul3A_56 = arith.muli %arg1, %mul3A_55 : i32
    %add3A_57 = arith.constant 256 : i32
    %add3A_58 = arith.addi %mul3A_56, %add3A_57 : i32
    "tpu.region"() ({
      %run_scoped3A = tpu.sem_alloc : memref<!tpu.dma_semaphore, #tpu.memory_space<semaphore_mem>>
      %dma_start3A = arith.constant 0 : i32
      %dma_start3A_95 = tpu.memref_slice %arg12[%add3A_58, %dma_start3A] : memref<10240x128xf32, #tpu.memory_space<vmem_shared>> -> memref<128x128xf32, #tpu.memory_space<vmem_shared>>
      %dma_start3A_96 = arith.constant 0 : i32
      %dma_start3A_97 = tpu.memref_slice %arg12[%add3A_58, %dma_start3A_96] : memref<10240x128xf32, #tpu.memory_space<vmem_shared>> -> memref<128x128xf32, #tpu.memory_space<vmem_shared>>
      tpu.enqueue_dma source(%arg10 : memref<128x128xf32, #tpu.memory_space<vmem>>) target(%dma_start3A_97 : memref<128x128xf32, #tpu.memory_space<vmem_shared>>) target_semaphore(%run_scoped3A : memref<!tpu.dma_semaphore, #tpu.memory_space<semaphore_mem>>)
      %dma_wait3A = arith.constant 0 : i32
      %dma_wait3A_98 = tpu.memref_slice %arg12[%add3A_58, %dma_wait3A] : memref<10240x128xf32, #tpu.memory_space<vmem_shared>> -> memref<128x128xf32, #tpu.memory_space<vmem_shared>>
      %dma_wait3A_99 = arith.constant 0 : i32
      %dma_wait3A_100 = tpu.memref_slice %arg12[%add3A_58, %dma_wait3A_99] : memref<10240x128xf32, #tpu.memory_space<vmem_shared>> -> memref<128x128xf32, #tpu.memory_space<vmem_shared>>
      tpu.wait_dma2 semaphore(%run_scoped3A : memref<!tpu.dma_semaphore, #tpu.memory_space<semaphore_mem>>) src(%arg10 : memref<128x128xf32, #tpu.memory_space<vmem>>) dst(%dma_wait3A_100 : memref<128x128xf32, #tpu.memory_space<vmem_shared>>)
      tpu.yield
    }) : () -> ()
    %mul3A_59 = arith.constant 640 : i32
    %mul3A_60 = arith.muli %arg1, %mul3A_59 : i32
    %add3A_61 = arith.constant 256 : i32
    %add3A_62 = arith.addi %mul3A_60, %add3A_61 : i32
    "tpu.region"() ({
      %run_scoped3A = tpu.sem_alloc : memref<!tpu.dma_semaphore, #tpu.memory_space<semaphore_mem>>
      %dma_start3A = tpu.memref_slice %arg13[%add3A_62] : memref<10240xf32, #tpu.memory_space<vmem_shared>> -> memref<128xf32, #tpu.memory_space<vmem_shared>>
      %dma_start3A_95 = tpu.memref_slice %arg13[%add3A_62] : memref<10240xf32, #tpu.memory_space<vmem_shared>> -> memref<128xf32, #tpu.memory_space<vmem_shared>>
      tpu.enqueue_dma source(%arg11 : memref<128xf32, #tpu.memory_space<vmem>>) target(%dma_start3A_95 : memref<128xf32, #tpu.memory_space<vmem_shared>>) target_semaphore(%run_scoped3A : memref<!tpu.dma_semaphore, #tpu.memory_space<semaphore_mem>>)
      %dma_wait3A = tpu.memref_slice %arg13[%add3A_62] : memref<10240xf32, #tpu.memory_space<vmem_shared>> -> memref<128xf32, #tpu.memory_space<vmem_shared>>
      %dma_wait3A_96 = tpu.memref_slice %arg13[%add3A_62] : memref<10240xf32, #tpu.memory_space<vmem_shared>> -> memref<128xf32, #tpu.memory_space<vmem_shared>>
      tpu.wait_dma2 semaphore(%run_scoped3A : memref<!tpu.dma_semaphore, #tpu.memory_space<semaphore_mem>>) src(%arg11 : memref<128xf32, #tpu.memory_space<vmem>>) dst(%dma_wait3A_96 : memref<128xf32, #tpu.memory_space<vmem_shared>>)
      tpu.yield
    }) : () -> ()
    %mul3A_63 = arith.constant 640 : i32
    %mul3A_64 = arith.muli %arg1, %mul3A_63 : i32
    %add3A_65 = arith.constant 384 : i32
    %add3A_66 = arith.addi %mul3A_64, %add3A_65 : i32
    "tpu.region"() ({
      %run_scoped3A = tpu.sem_alloc : memref<!tpu.dma_semaphore, #tpu.memory_space<semaphore_mem>>
      %dma_start3A = arith.constant 0 : i32
      %dma_start3A_95 = tpu.memref_slice %arg12[%add3A_66, %dma_start3A] : memref<10240x128xf32, #tpu.memory_space<vmem_shared>> -> memref<128x128xf32, #tpu.memory_space<vmem_shared>>
      %dma_start3A_96 = arith.constant 0 : i32
      %dma_start3A_97 = tpu.memref_slice %arg12[%add3A_66, %dma_start3A_96] : memref<10240x128xf32, #tpu.memory_space<vmem_shared>> -> memref<128x128xf32, #tpu.memory_space<vmem_shared>>
      tpu.enqueue_dma source(%arg10 : memref<128x128xf32, #tpu.memory_space<vmem>>) target(%dma_start3A_97 : memref<128x128xf32, #tpu.memory_space<vmem_shared>>) target_semaphore(%run_scoped3A : memref<!tpu.dma_semaphore, #tpu.memory_space<semaphore_mem>>)
      %dma_wait3A = arith.constant 0 : i32
      %dma_wait3A_98 = tpu.memref_slice %arg12[%add3A_66, %dma_wait3A] : memref<10240x128xf32, #tpu.memory_space<vmem_shared>> -> memref<128x128xf32, #tpu.memory_space<vmem_shared>>
      %dma_wait3A_99 = arith.constant 0 : i32
      %dma_wait3A_100 = tpu.memref_slice %arg12[%add3A_66, %dma_wait3A_99] : memref<10240x128xf32, #tpu.memory_space<vmem_shared>> -> memref<128x128xf32, #tpu.memory_space<vmem_shared>>
      tpu.wait_dma2 semaphore(%run_scoped3A : memref<!tpu.dma_semaphore, #tpu.memory_space<semaphore_mem>>) src(%arg10 : memref<128x128xf32, #tpu.memory_space<vmem>>) dst(%dma_wait3A_100 : memref<128x128xf32, #tpu.memory_space<vmem_shared>>)
      tpu.yield
    }) : () -> ()
    %mul3A_67 = arith.constant 640 : i32
    %mul3A_68 = arith.muli %arg1, %mul3A_67 : i32
    %add3A_69 = arith.constant 384 : i32
    %add3A_70 = arith.addi %mul3A_68, %add3A_69 : i32
    "tpu.region"() ({
      %run_scoped3A = tpu.sem_alloc : memref<!tpu.dma_semaphore, #tpu.memory_space<semaphore_mem>>
      %dma_start3A = tpu.memref_slice %arg13[%add3A_70] : memref<10240xf32, #tpu.memory_space<vmem_shared>> -> memref<128xf32, #tpu.memory_space<vmem_shared>>
      %dma_start3A_95 = tpu.memref_slice %arg13[%add3A_70] : memref<10240xf32, #tpu.memory_space<vmem_shared>> -> memref<128xf32, #tpu.memory_space<vmem_shared>>
      tpu.enqueue_dma source(%arg11 : memref<128xf32, #tpu.memory_space<vmem>>) target(%dma_start3A_95 : memref<128xf32, #tpu.memory_space<vmem_shared>>) target_semaphore(%run_scoped3A : memref<!tpu.dma_semaphore, #tpu.memory_space<semaphore_mem>>)
      %dma_wait3A = tpu.memref_slice %arg13[%add3A_70] : memref<10240xf32, #tpu.memory_space<vmem_shared>> -> memref<128xf32, #tpu.memory_space<vmem_shared>>
      %dma_wait3A_96 = tpu.memref_slice %arg13[%add3A_70] : memref<10240xf32, #tpu.memory_space<vmem_shared>> -> memref<128xf32, #tpu.memory_space<vmem_shared>>
      tpu.wait_dma2 semaphore(%run_scoped3A : memref<!tpu.dma_semaphore, #tpu.memory_space<semaphore_mem>>) src(%arg11 : memref<128xf32, #tpu.memory_space<vmem>>) dst(%dma_wait3A_96 : memref<128xf32, #tpu.memory_space<vmem_shared>>)
      tpu.yield
    }) : () -> ()
    %mul3A_71 = arith.constant 640 : i32
    %mul3A_72 = arith.muli %arg1, %mul3A_71 : i32
    %add3A_73 = arith.constant 512 : i32
    %add3A_74 = arith.addi %mul3A_72, %add3A_73 : i32
    "tpu.region"() ({
      %run_scoped3A = tpu.sem_alloc : memref<!tpu.dma_semaphore, #tpu.memory_space<semaphore_mem>>
      %dma_start3A = arith.constant 0 : i32
      %dma_start3A_95 = tpu.memref_slice %arg12[%add3A_74, %dma_start3A] : memref<10240x128xf32, #tpu.memory_space<vmem_shared>> -> memref<128x128xf32, #tpu.memory_space<vmem_shared>>
      %dma_start3A_96 = arith.constant 0 : i32
      %dma_start3A_97 = tpu.memref_slice %arg12[%add3A_74, %dma_start3A_96] : memref<10240x128xf32, #tpu.memory_space<vmem_shared>> -> memref<128x128xf32, #tpu.memory_space<vmem_shared>>
      tpu.enqueue_dma source(%arg10 : memref<128x128xf32, #tpu.memory_space<vmem>>) target(%dma_start3A_97 : memref<128x128xf32, #tpu.memory_space<vmem_shared>>) target_semaphore(%run_scoped3A : memref<!tpu.dma_semaphore, #tpu.memory_space<semaphore_mem>>)
      %dma_wait3A = arith.constant 0 : i32
      %dma_wait3A_98 = tpu.memref_slice %arg12[%add3A_74, %dma_wait3A] : memref<10240x128xf32, #tpu.memory_space<vmem_shared>> -> memref<128x128xf32, #tpu.memory_space<vmem_shared>>
      %dma_wait3A_99 = arith.constant 0 : i32
      %dma_wait3A_100 = tpu.memref_slice %arg12[%add3A_74, %dma_wait3A_99] : memref<10240x128xf32, #tpu.memory_space<vmem_shared>> -> memref<128x128xf32, #tpu.memory_space<vmem_shared>>
      tpu.wait_dma2 semaphore(%run_scoped3A : memref<!tpu.dma_semaphore, #tpu.memory_space<semaphore_mem>>) src(%arg10 : memref<128x128xf32, #tpu.memory_space<vmem>>) dst(%dma_wait3A_100 : memref<128x128xf32, #tpu.memory_space<vmem_shared>>)
      tpu.yield
    }) : () -> ()
    %mul3A_75 = arith.constant 640 : i32
    %mul3A_76 = arith.muli %arg1, %mul3A_75 : i32
    %add3A_77 = arith.constant 512 : i32
    %add3A_78 = arith.addi %mul3A_76, %add3A_77 : i32
    "tpu.region"() ({
      %run_scoped3A = tpu.sem_alloc : memref<!tpu.dma_semaphore, #tpu.memory_space<semaphore_mem>>
      %dma_start3A = tpu.memref_slice %arg13[%add3A_78] : memref<10240xf32, #tpu.memory_space<vmem_shared>> -> memref<128xf32, #tpu.memory_space<vmem_shared>>
      %dma_start3A_95 = tpu.memref_slice %arg13[%add3A_78] : memref<10240xf32, #tpu.memory_space<vmem_shared>> -> memref<128xf32, #tpu.memory_space<vmem_shared>>
      tpu.enqueue_dma source(%arg11 : memref<128xf32, #tpu.memory_space<vmem>>) target(%dma_start3A_95 : memref<128xf32, #tpu.memory_space<vmem_shared>>) target_semaphore(%run_scoped3A : memref<!tpu.dma_semaphore, #tpu.memory_space<semaphore_mem>>)
      %dma_wait3A = tpu.memref_slice %arg13[%add3A_78] : memref<10240xf32, #tpu.memory_space<vmem_shared>> -> memref<128xf32, #tpu.memory_space<vmem_shared>>
      %dma_wait3A_96 = tpu.memref_slice %arg13[%add3A_78] : memref<10240xf32, #tpu.memory_space<vmem_shared>> -> memref<128xf32, #tpu.memory_space<vmem_shared>>
      tpu.wait_dma2 semaphore(%run_scoped3A : memref<!tpu.dma_semaphore, #tpu.memory_space<semaphore_mem>>) src(%arg11 : memref<128xf32, #tpu.memory_space<vmem>>) dst(%dma_wait3A_96 : memref<128xf32, #tpu.memory_space<vmem_shared>>)
      tpu.yield
    }) : () -> ()
    %barrier3A = arith.constant 0 : index
    tpu.barrier barrier_id(%barrier3A)
    %scan3A_79 = arith.constant 0 : i32
    %scan3A_80 = arith.constant 0 : i32
    %scan3A_81 = arith.constant 79 : i32
    %scan3A_82 = arith.addi %scan3A_80, %scan3A_81 : i32
    %scan3A_83 = arith.constant 1 : i32
    %scan3A_84 = scf.for %scan3A_95 = %scan3A_80 to %scan3A_82 step %scan3A_83 iter_args(%scan3A_96 = %scan3A_79) -> (i32)  : i32 {
      %dma_start3A = arith.constant 0 : i32
      %dma_start3A_97 = tpu.memref_slice %arg9[%scan3A_95, %dma_start3A] : memref<79x128xi32, #tpu.memory_space<vmem>> -> memref<1x128xi32, #tpu.memory_space<vmem>>
      %dma_start3A_98 = tpu.memref_squeeze %dma_start3A_97 : memref<1x128xi32, #tpu.memory_space<vmem>> -> memref<128xi32, #tpu.memory_space<vmem>>
      %dma_start3A_99 = arith.constant 0 : i32
      %dma_start3A_100 = tpu.memref_slice %arg5[%dma_start3A_99] : memref<10240xf32, #tpu.memory_space<hbm>> -> memref<10240xf32, #tpu.memory_space<hbm>>
      tpu.enqueue_indirect_dma source(%dma_start3A_100 : memref<10240xf32, #tpu.memory_space<hbm>>) target(%arg11 : memref<128xf32, #tpu.memory_space<vmem>>) offsets(%dma_start3A_98 : memref<128xi32, #tpu.memory_space<vmem>>) semaphore(%arg15 : memref<!tpu.dma_semaphore, #tpu.memory_space<semaphore_mem>>)
      %dma_start3A_101 = arith.constant 0 : i32
      %dma_start3A_102 = tpu.memref_slice %arg8[%scan3A_95, %dma_start3A_101] : memref<79x128xi32, #tpu.memory_space<vmem>> -> memref<1x128xi32, #tpu.memory_space<vmem>>
      %dma_start3A_103 = tpu.memref_squeeze %dma_start3A_102 : memref<1x128xi32, #tpu.memory_space<vmem>> -> memref<128xi32, #tpu.memory_space<vmem>>
      %dma_start3A_104 = arith.constant 0 : i32
      %dma_start3A_105 = arith.constant 0 : i32
      %dma_start3A_106 = tpu.memref_slice %arg4[%dma_start3A_104, %dma_start3A_105] : memref<10240x128xf32, #tpu.memory_space<hbm>> -> memref<10240x128xf32, #tpu.memory_space<hbm>>
      tpu.enqueue_indirect_dma source(%dma_start3A_106 : memref<10240x128xf32, #tpu.memory_space<hbm>>) target(%arg10 : memref<128x128xf32, #tpu.memory_space<vmem>>) offsets(%dma_start3A_103 : memref<128xi32, #tpu.memory_space<vmem>>) semaphore(%arg14 : memref<!tpu.dma_semaphore, #tpu.memory_space<semaphore_mem>>)
      %dma_wait3A = arith.constant 0 : i32
      %dma_wait3A_107 = tpu.memref_slice %arg8[%scan3A_95, %dma_wait3A] : memref<79x128xi32, #tpu.memory_space<vmem>> -> memref<1x128xi32, #tpu.memory_space<vmem>>
      %dma_wait3A_108 = tpu.memref_squeeze %dma_wait3A_107 : memref<1x128xi32, #tpu.memory_space<vmem>> -> memref<128xi32, #tpu.memory_space<vmem>>
      %dma_wait3A_109 = arith.constant 0 : i32
      %dma_wait3A_110 = arith.constant 0 : i32
      %dma_wait3A_111 = tpu.memref_slice %arg4[%dma_wait3A_109, %dma_wait3A_110] : memref<10240x128xf32, #tpu.memory_space<hbm>> -> memref<10240x128xf32, #tpu.memory_space<hbm>>
      tpu.wait_indirect_dma semaphore(%arg14 : memref<!tpu.dma_semaphore, #tpu.memory_space<semaphore_mem>>) src(%dma_wait3A_111 : memref<10240x128xf32, #tpu.memory_space<hbm>>) dst(%arg10 : memref<128x128xf32, #tpu.memory_space<vmem>>)
      %dma_wait3A_112 = arith.constant 0 : i32
      %dma_wait3A_113 = tpu.memref_slice %arg9[%scan3A_95, %dma_wait3A_112] : memref<79x128xi32, #tpu.memory_space<vmem>> -> memref<1x128xi32, #tpu.memory_space<vmem>>
      %dma_wait3A_114 = tpu.memref_squeeze %dma_wait3A_113 : memref<1x128xi32, #tpu.memory_space<vmem>> -> memref<128xi32, #tpu.memory_space<vmem>>
      %dma_wait3A_115 = arith.constant 0 : i32
      %dma_wait3A_116 = tpu.memref_slice %arg5[%dma_wait3A_115] : memref<10240xf32, #tpu.memory_space<hbm>> -> memref<10240xf32, #tpu.memory_space<hbm>>
      tpu.wait_indirect_dma semaphore(%arg15 : memref<!tpu.dma_semaphore, #tpu.memory_space<semaphore_mem>>) src(%dma_wait3A_116 : memref<10240xf32, #tpu.memory_space<hbm>>) dst(%arg11 : memref<128xf32, #tpu.memory_space<vmem>>)
      "tpu.region"() ({
        %run_scoped3A = tpu.sem_alloc : memref<!tpu.dma_semaphore, #tpu.memory_space<semaphore_mem>>
        %dma_start3A_118 = arith.constant 0 : i32
        %dma_start3A_119 = tpu.memref_slice %arg9[%scan3A_95, %dma_start3A_118] : memref<79x128xi32, #tpu.memory_space<vmem>> -> memref<1x128xi32, #tpu.memory_space<vmem>>
        %dma_start3A_120 = tpu.memref_squeeze %dma_start3A_119 : memref<1x128xi32, #tpu.memory_space<vmem>> -> memref<128xi32, #tpu.memory_space<vmem>>
        %dma_start3A_121 = arith.constant 0 : i32
        %dma_start3A_122 = arith.constant 0 : i32
        %dma_start3A_123 = tpu.memref_slice %arg12[%dma_start3A_121, %dma_start3A_122] : memref<10240x128xf32, #tpu.memory_space<vmem_shared>> -> memref<10240x128xf32, #tpu.memory_space<vmem_shared>>
        tpu.enqueue_indirect_dma source(%arg10 : memref<128x128xf32, #tpu.memory_space<vmem>>) target(%dma_start3A_123 : memref<10240x128xf32, #tpu.memory_space<vmem_shared>>) offsets(%dma_start3A_120 : memref<128xi32, #tpu.memory_space<vmem>>) semaphore(%run_scoped3A : memref<!tpu.dma_semaphore, #tpu.memory_space<semaphore_mem>>) {add = true}
        %dma_wait3A_124 = arith.constant 0 : i32
        %dma_wait3A_125 = tpu.memref_slice %arg9[%scan3A_95, %dma_wait3A_124] : memref<79x128xi32, #tpu.memory_space<vmem>> -> memref<1x128xi32, #tpu.memory_space<vmem>>
        %dma_wait3A_126 = tpu.memref_squeeze %dma_wait3A_125 : memref<1x128xi32, #tpu.memory_space<vmem>> -> memref<128xi32, #tpu.memory_space<vmem>>
        %dma_wait3A_127 = arith.constant 0 : i32
        %dma_wait3A_128 = arith.constant 0 : i32
        %dma_wait3A_129 = tpu.memref_slice %arg12[%dma_wait3A_127, %dma_wait3A_128] : memref<10240x128xf32, #tpu.memory_space<vmem_shared>> -> memref<10240x128xf32, #tpu.memory_space<vmem_shared>>
        tpu.wait_indirect_dma semaphore(%run_scoped3A : memref<!tpu.dma_semaphore, #tpu.memory_space<semaphore_mem>>) src(%arg10 : memref<128x128xf32, #tpu.memory_space<vmem>>) dst(%dma_wait3A_129 : memref<10240x128xf32, #tpu.memory_space<vmem_shared>>)
        tpu.yield
      }) : () -> ()
      "tpu.region"() ({
        %run_scoped3A = tpu.sem_alloc : memref<!tpu.dma_semaphore, #tpu.memory_space<semaphore_mem>>
        %dma_start3A_118 = arith.constant 0 : i32
        %dma_start3A_119 = tpu.memref_slice %arg8[%scan3A_95, %dma_start3A_118] : memref<79x128xi32, #tpu.memory_space<vmem>> -> memref<1x128xi32, #tpu.memory_space<vmem>>
        %dma_start3A_120 = tpu.memref_squeeze %dma_start3A_119 : memref<1x128xi32, #tpu.memory_space<vmem>> -> memref<128xi32, #tpu.memory_space<vmem>>
        %dma_start3A_121 = arith.constant 0 : i32
        %dma_start3A_122 = tpu.memref_slice %arg13[%dma_start3A_121] : memref<10240xf32, #tpu.memory_space<vmem_shared>> -> memref<10240xf32, #tpu.memory_space<vmem_shared>>
        tpu.enqueue_indirect_dma source(%arg11 : memref<128xf32, #tpu.memory_space<vmem>>) target(%dma_start3A_122 : memref<10240xf32, #tpu.memory_space<vmem_shared>>) offsets(%dma_start3A_120 : memref<128xi32, #tpu.memory_space<vmem>>) semaphore(%run_scoped3A : memref<!tpu.dma_semaphore, #tpu.memory_space<semaphore_mem>>) {add = true}
        %dma_wait3A_123 = arith.constant 0 : i32
        %dma_wait3A_124 = tpu.memref_slice %arg8[%scan3A_95, %dma_wait3A_123] : memref<79x128xi32, #tpu.memory_space<vmem>> -> memref<1x128xi32, #tpu.memory_space<vmem>>
        %dma_wait3A_125 = tpu.memref_squeeze %dma_wait3A_124 : memref<1x128xi32, #tpu.memory_space<vmem>> -> memref<128xi32, #tpu.memory_space<vmem>>
        %dma_wait3A_126 = arith.constant 0 : i32
        %dma_wait3A_127 = tpu.memref_slice %arg13[%dma_wait3A_126] : memref<10240xf32, #tpu.memory_space<vmem_shared>> -> memref<10240xf32, #tpu.memory_space<vmem_shared>>
        tpu.wait_indirect_dma semaphore(%run_scoped3A : memref<!tpu.dma_semaphore, #tpu.memory_space<semaphore_mem>>) src(%arg11 : memref<128xf32, #tpu.memory_space<vmem>>) dst(%dma_wait3A_127 : memref<10240xf32, #tpu.memory_space<vmem_shared>>)
        tpu.yield
      }) : () -> ()
      %scan3A_117 = arith.constant 0 : i32
      scf.yield %scan3A_117 : i32
    }
    %scan3A_85 = arith.constant 79 : i32
    %barrier3A_86 = arith.constant 0 : index
    tpu.barrier barrier_id(%barrier3A_86)
    %mul3A_87 = arith.constant 640 : i32
    %mul3A_88 = arith.muli %arg1, %mul3A_87 : i32
    %mul3A_89 = arith.constant 640 : i32
    %mul3A_90 = arith.muli %arg1, %mul3A_89 : i32
    "tpu.region"() ({
      %run_scoped3A = tpu.sem_alloc : memref<!tpu.dma_semaphore, #tpu.memory_space<semaphore_mem>>
      %dma_start3A = arith.constant 0 : i32
      %dma_start3A_95 = tpu.memref_slice %arg6[%arg0, %mul3A_90, %dma_start3A] : memref<2x10240x128xf32, #tpu.memory_space<hbm>> -> memref<1x640x128xf32, #tpu.memory_space<hbm>>
      %dma_start3A_96 = tpu.memref_squeeze %dma_start3A_95 : memref<1x640x128xf32, #tpu.memory_space<hbm>> -> memref<640x128xf32, #tpu.memory_space<hbm>>
      %dma_start3A_97 = arith.constant 0 : i32
      %dma_start3A_98 = tpu.memref_slice %arg12[%mul3A_88, %dma_start3A_97] : memref<10240x128xf32, #tpu.memory_space<vmem_shared>> -> memref<640x128xf32, #tpu.memory_space<vmem_shared>>
      tpu.enqueue_dma source(%dma_start3A_98 : memref<640x128xf32, #tpu.memory_space<vmem_shared>>) target(%dma_start3A_96 : memref<640x128xf32, #tpu.memory_space<hbm>>) target_semaphore(%run_scoped3A : memref<!tpu.dma_semaphore, #tpu.memory_space<semaphore_mem>>)
      %dma_wait3A = arith.constant 0 : i32
      %dma_wait3A_99 = tpu.memref_slice %arg6[%arg0, %mul3A_90, %dma_wait3A] : memref<2x10240x128xf32, #tpu.memory_space<hbm>> -> memref<1x640x128xf32, #tpu.memory_space<hbm>>
      %dma_wait3A_100 = tpu.memref_squeeze %dma_wait3A_99 : memref<1x640x128xf32, #tpu.memory_space<hbm>> -> memref<640x128xf32, #tpu.memory_space<hbm>>
      %dma_wait3A_101 = arith.constant 0 : i32
      %dma_wait3A_102 = tpu.memref_slice %arg12[%mul3A_88, %dma_wait3A_101] : memref<10240x128xf32, #tpu.memory_space<vmem_shared>> -> memref<640x128xf32, #tpu.memory_space<vmem_shared>>
      tpu.wait_dma2 semaphore(%run_scoped3A : memref<!tpu.dma_semaphore, #tpu.memory_space<semaphore_mem>>) src(%dma_wait3A_102 : memref<640x128xf32, #tpu.memory_space<vmem_shared>>) dst(%dma_wait3A_100 : memref<640x128xf32, #tpu.memory_space<hbm>>)
      tpu.yield
    }) : () -> ()
    %mul3A_91 = arith.constant 640 : i32
    %mul3A_92 = arith.muli %arg1, %mul3A_91 : i32
    %mul3A_93 = arith.constant 640 : i32
    %mul3A_94 = arith.muli %arg1, %mul3A_93 : i32
    "tpu.region"() ({
      %run_scoped3A = tpu.sem_alloc : memref<!tpu.dma_semaphore, #tpu.memory_space<semaphore_mem>>
      %dma_start3A = tpu.memref_slice %arg7[%arg0, %mul3A_94] : memref<2x10240xf32, #tpu.memory_space<hbm>> -> memref<1x640xf32, #tpu.memory_space<hbm>>
      %dma_start3A_95 = tpu.memref_squeeze %dma_start3A : memref<1x640xf32, #tpu.memory_space<hbm>> -> memref<640xf32, #tpu.memory_space<hbm>>
      %dma_start3A_96 = tpu.memref_slice %arg13[%mul3A_92] : memref<10240xf32, #tpu.memory_space<vmem_shared>> -> memref<640xf32, #tpu.memory_space<vmem_shared>>
      tpu.enqueue_dma source(%dma_start3A_96 : memref<640xf32, #tpu.memory_space<vmem_shared>>) target(%dma_start3A_95 : memref<640xf32, #tpu.memory_space<hbm>>) target_semaphore(%run_scoped3A : memref<!tpu.dma_semaphore, #tpu.memory_space<semaphore_mem>>)
      %dma_wait3A = tpu.memref_slice %arg7[%arg0, %mul3A_94] : memref<2x10240xf32, #tpu.memory_space<hbm>> -> memref<1x640xf32, #tpu.memory_space<hbm>>
      %dma_wait3A_97 = tpu.memref_squeeze %dma_wait3A : memref<1x640xf32, #tpu.memory_space<hbm>> -> memref<640xf32, #tpu.memory_space<hbm>>
      %dma_wait3A_98 = tpu.memref_slice %arg13[%mul3A_92] : memref<10240xf32, #tpu.memory_space<vmem_shared>> -> memref<640xf32, #tpu.memory_space<vmem_shared>>
      tpu.wait_dma2 semaphore(%run_scoped3A : memref<!tpu.dma_semaphore, #tpu.memory_space<semaphore_mem>>) src(%dma_wait3A_98 : memref<640xf32, #tpu.memory_space<vmem_shared>>) dst(%dma_wait3A_97 : memref<640xf32, #tpu.memory_space<hbm>>)
      tpu.yield
    }) : () -> ()
    return
  }
}

module attributes {stable_mosaic.version = 14 : i64} {
  func.func @body(%arg0: memref<10240x128xf32, #tpu.memory_space<vmem>>, %arg1: memref<128x128xf32, #tpu.memory_space<vmem>>, %arg2: memref<10240x2xf32, #tpu.memory_space<vmem>>, %arg3: memref<10240x128xf32, #tpu.memory_space<vmem>>, %arg4: memref<10240x1xf32, #tpu.memory_space<vmem>>) attributes {dimension_semantics = [], scalar_prefetch = 0 : i64, scratch_operands = 0 : i64, tpu.core_type = #tpu.core_type<tc>} {
    %get3A = arith.constant 0 : index
    %get3A_0 = arith.constant 0 : index
    %get3A_1 = vector.load %arg2[%get3A, %get3A_0] : memref<10240x2xf32, #tpu.memory_space<vmem>>, vector<10240x1xf32>
    %get3A_2 = arith.constant 0 : index
    %get3A_3 = arith.constant 1 : index
    %get3A_4 = vector.load %arg2[%get3A_2, %get3A_3] : memref<10240x2xf32, #tpu.memory_space<vmem>>, vector<10240x1xf32>
    %add3A = arith.addf %get3A_1, %get3A_4 : vector<10240x1xf32>
    %add3A_5 = arith.constant 1.000000e+00 : f32
    %add3A_6 = vector.broadcast %add3A_5 : f32 to vector<10240x1xf32>
    %add3A_7 = arith.addf %add3A, %add3A_6 : vector<10240x1xf32>
    %rsqrt3A = math.rsqrt %add3A_7 : vector<10240x1xf32>
    %swap3A = arith.constant 0 : index
    %swap3A_8 = arith.constant 0 : index
    %swap3A_9 = vector.load %arg4[%swap3A, %swap3A_8] : memref<10240x1xf32, #tpu.memory_space<vmem>>, vector<10240x1xf32>
    tpu.vector_store %arg4[%swap3A, %swap3A_8], %rsqrt3A {strides = array<i32>} : memref<10240x1xf32, #tpu.memory_space<vmem>>, vector<10240x1xf32>,
    %get3A_10 = arith.constant 0 : index
    %get3A_11 = arith.constant 0 : index
    %get3A_12 = vector.load %arg0[%get3A_10, %get3A_11] : memref<10240x128xf32, #tpu.memory_space<vmem>>, vector<10240x128xf32>
    %get3A_13 = arith.constant 0 : index
    %get3A_14 = arith.constant 0 : index
    %get3A_15 = vector.load %arg1[%get3A_13, %get3A_14] : memref<128x128xf32, #tpu.memory_space<vmem>>, vector<128x128xf32>
    %dot_general3A = arith.constant dense<0.000000e+00> : vector<10240x128xf32>
    %dot_general3A_16 = tpu.matmul %get3A_12, %get3A_15, %dot_general3A {dimension_numbers = #tpu.dot_dimension_numbers<[1], [0], [0], [1], [0, 0, 1, 1], [], []>, transpose_lhs_hint = false} : vector<10240x128xf32>, vector<128x128xf32>, vector<10240x128xf32> -> vector<10240x128xf32>
    %mul3A = vector.broadcast %rsqrt3A : vector<10240x1xf32> to vector<10240x128xf32>
    %mul3A_17 = arith.mulf %dot_general3A_16, %mul3A : vector<10240x128xf32>
    %swap3A_18 = arith.constant 0 : index
    %swap3A_19 = arith.constant 0 : index
    %swap3A_20 = vector.load %arg3[%swap3A_18, %swap3A_19] : memref<10240x128xf32, #tpu.memory_space<vmem>>, vector<10240x128xf32>
    tpu.vector_store %arg3[%swap3A_18, %swap3A_19], %mul3A_17 {strides = array<i32>} : memref<10240x128xf32, #tpu.memory_space<vmem>>, vector<10240x128xf32>,
    return
  }
}

module attributes {stable_mosaic.version = 14 : i64} {
  func.func @body(%arg0: memref<2x10240x128xf32, #tpu.memory_space<vmem>>, %arg1: memref<10240x2xf32, #tpu.memory_space<vmem>>, %arg2: memref<10240x1xf32, #tpu.memory_space<vmem>>, %arg3: memref<10240x128xf32, #tpu.memory_space<vmem>>, %arg4: memref<1x128xf32, #tpu.memory_space<vmem>>, %arg5: memref<128x128xf32, #tpu.memory_space<vmem>>, %arg6: memref<1x128xf32, #tpu.memory_space<vmem>>, %arg7: memref<128x10xf32, #tpu.memory_space<vmem>>, %arg8: memref<1x10xf32, #tpu.memory_space<vmem>>, %arg9: memref<1x10xf32, #tpu.memory_space<vmem>>) attributes {dimension_semantics = [], scalar_prefetch = 0 : i64, scratch_operands = 0 : i64, tpu.core_type = #tpu.core_type<tc>} {
    %get3A = arith.constant 0 : index
    %get3A_0 = arith.constant 0 : index
    %get3A_1 = vector.load %arg2[%get3A, %get3A_0] : memref<10240x1xf32, #tpu.memory_space<vmem>>, vector<10240x1xf32>
    %get3A_2 = arith.constant 0 : index
    %get3A_3 = arith.constant 0 : index
    %get3A_4 = arith.constant 0 : index
    %get3A_5 = vector.load %arg0[%get3A_2, %get3A_3, %get3A_4] : memref<2x10240x128xf32, #tpu.memory_space<vmem>>, vector<1x10240x128xf32>
    %get3A_6 = vector.shape_cast %get3A_5 : vector<1x10240x128xf32> to vector<10240x128xf32>
    %get3A_7 = arith.constant 1 : index
    %get3A_8 = arith.constant 0 : index
    %get3A_9 = arith.constant 0 : index
    %get3A_10 = vector.load %arg0[%get3A_7, %get3A_8, %get3A_9] : memref<2x10240x128xf32, #tpu.memory_space<vmem>>, vector<1x10240x128xf32>
    %get3A_11 = vector.shape_cast %get3A_10 : vector<1x10240x128xf32> to vector<10240x128xf32>
    %add3A = arith.addf %get3A_6, %get3A_11 : vector<10240x128xf32>
    %get3A_12 = arith.constant 0 : index
    %get3A_13 = arith.constant 0 : index
    %get3A_14 = vector.load %arg3[%get3A_12, %get3A_13] : memref<10240x128xf32, #tpu.memory_space<vmem>>, vector<10240x128xf32>
    %add3A_15 = arith.addf %add3A, %get3A_14 : vector<10240x128xf32>
    %mul3A = vector.broadcast %get3A_1 : vector<10240x1xf32> to vector<10240x128xf32>
    %mul3A_16 = arith.mulf %mul3A, %add3A_15 : vector<10240x128xf32>
    %get3A_17 = arith.constant 0 : index
    %get3A_18 = arith.constant 0 : index
    %get3A_19 = vector.load %arg4[%get3A_17, %get3A_18] : memref<1x128xf32, #tpu.memory_space<vmem>>, vector<1x128xf32>
    %add3A_20 = vector.broadcast %get3A_19 : vector<1x128xf32> to vector<10240x128xf32>
    %add3A_21 = arith.addf %mul3A_16, %add3A_20 : vector<10240x128xf32>
    %max3A = arith.constant 0.000000e+00 : f32
    %max3A_22 = vector.broadcast %max3A : f32 to vector<10240x128xf32>
    %max3A_23 = arith.maximumf %add3A_21, %max3A_22 : vector<10240x128xf32>
    %get3A_24 = arith.constant 0 : index
    %get3A_25 = arith.constant 0 : index
    %get3A_26 = vector.load %arg1[%get3A_24, %get3A_25] : memref<10240x2xf32, #tpu.memory_space<vmem>>, vector<10240x1xf32>
    %get3A_27 = arith.constant 0 : index
    %get3A_28 = arith.constant 1 : index
    %get3A_29 = vector.load %arg1[%get3A_27, %get3A_28] : memref<10240x2xf32, #tpu.memory_space<vmem>>, vector<10240x1xf32>
    %add3A_30 = arith.addf %get3A_26, %get3A_29 : vector<10240x1xf32>
    %mul3A_31 = arith.mulf %get3A_1, %add3A_30 : vector<10240x1xf32>
    %mul3A_32 = arith.mulf %get3A_1, %get3A_1 : vector<10240x1xf32>
    %add3A_33 = arith.addf %mul3A_31, %mul3A_32 : vector<10240x1xf32>
    %iota3A = tpu.iota {dimensions = array<i32: 0>} : vector<10240x1xi32>
    %lt3A = arith.constant 10000 : i32
    %lt3A_34 = vector.broadcast %lt3A : i32 to vector<10240x1xi32>
    %lt3A_35 = arith.cmpi slt, %iota3A, %lt3A_34 : vector<10240x1xi32>
    %jit3A = arith.constant 0.000000e+00 : f32
    %broadcast_in_dim3A = vector.broadcast %jit3A : f32 to vector<10240x1xf32>
    %select_n3A = arith.select %lt3A_35, %add3A_33, %broadcast_in_dim3A : vector<10240x1xi1>, vector<10240x1xf32>
    %mul3A_36 = vector.broadcast %select_n3A : vector<10240x1xf32> to vector<10240x128xf32>
    %mul3A_37 = arith.mulf %max3A_23, %mul3A_36 : vector<10240x128xf32>
    %reduce_sum3A = arith.constant dense<0.000000e+00> : vector<128xf32>
    %reduce_sum3A_38 = vector.multi_reduction <add>, %mul3A_37, %reduce_sum3A [0] : vector<10240x128xf32> to vector<128xf32>
    %broadcast_in_dim3A_39 = vector.shape_cast %reduce_sum3A_38 : vector<128xf32> to vector<1x128xf32>
    %mul3A_40 = arith.constant 9.99999974E-5 : f32
    %mul3A_41 = vector.broadcast %mul3A_40 : f32 to vector<1x128xf32>
    %mul3A_42 = arith.mulf %broadcast_in_dim3A_39, %mul3A_41 : vector<1x128xf32>
    %get3A_43 = arith.constant 0 : index
    %get3A_44 = arith.constant 0 : index
    %get3A_45 = vector.load %arg5[%get3A_43, %get3A_44] : memref<128x128xf32, #tpu.memory_space<vmem>>, vector<128x128xf32>
    %dot_general3A = arith.constant dense<0.000000e+00> : vector<1x128xf32>
    %dot_general3A_46 = tpu.matmul %mul3A_42, %get3A_45, %dot_general3A {dimension_numbers = #tpu.dot_dimension_numbers<[1], [0], [0], [1], [0, 0, 1, 1], [], []>, transpose_lhs_hint = false} : vector<1x128xf32>, vector<128x128xf32>, vector<1x128xf32> -> vector<1x128xf32>
    %get3A_47 = arith.constant 0 : index
    %get3A_48 = arith.constant 0 : index
    %get3A_49 = vector.load %arg6[%get3A_47, %get3A_48] : memref<1x128xf32, #tpu.memory_space<vmem>>, vector<1x128xf32>
    %add3A_50 = arith.addf %dot_general3A_46, %get3A_49 : vector<1x128xf32>
    %get3A_51 = arith.constant 0 : index
    %get3A_52 = arith.constant 0 : index
    %get3A_53 = vector.load %arg7[%get3A_51, %get3A_52] : memref<128x10xf32, #tpu.memory_space<vmem>>, vector<128x10xf32>
    %dot_general3A_54 = arith.constant dense<0.000000e+00> : vector<1x10xf32>
    %dot_general3A_55 = tpu.matmul %add3A_50, %get3A_53, %dot_general3A_54 {dimension_numbers = #tpu.dot_dimension_numbers<[1], [0], [0], [1], [0, 0, 1, 1], [], []>, transpose_lhs_hint = false} : vector<1x128xf32>, vector<128x10xf32>, vector<1x10xf32> -> vector<1x10xf32>
    %get3A_56 = arith.constant 0 : index
    %get3A_57 = arith.constant 0 : index
    %get3A_58 = vector.load %arg8[%get3A_56, %get3A_57] : memref<1x10xf32, #tpu.memory_space<vmem>>, vector<1x10xf32>
    %add3A_59 = arith.addf %dot_general3A_55, %get3A_58 : vector<1x10xf32>
    %swap3A = arith.constant 0 : index
    %swap3A_60 = arith.constant 0 : index
    %swap3A_61 = vector.load %arg9[%swap3A, %swap3A_60] : memref<1x10xf32, #tpu.memory_space<vmem>>, vector<1x10xf32>
    tpu.vector_store %arg9[%swap3A, %swap3A_60], %add3A_59 {strides = array<i32>} : memref<1x10xf32, #tpu.memory_space<vmem>>, vector<1x10xf32>,
    return
  }
}

</mosaic_0001>

<sc_bundles>
// kernel: kernel.6.cloned.1.call-start
scs
__scs_entry_jumppad:
0x0: {  	(pc) =	sbr.rel $0x88, $3  }
0x1: {  	(tag) =	ssettag $0x0;
	lr =	simm.s32 $0x1  }
0x2: {  	[smem:$0x3F99] =	sst lr;
	_ =	strace $0xD0000000  }
0x3: {  	_ = 	snop  }
0x4: {  	_ = 	snop  }
0x5: {  	_ = 	snop  }
0x6: {  	_ = 	snop  }
0x7: {  	_ = 	snop  }
__scs_overlays_trampoline_lowered:
0x8: {  	[smem:$0x3FA8] =	sst s0  }
0x9: {  	[smem:$0x3FA9] =	sst s1  }
0xa: {  	[smem:$0x3FAA] =	sst s2  }
0xb: {  	[smem:$0x3FAB] =	sst s3  }
0xc: {  	[smem:$0x3FAC] =	sst s4  }
0xd: {  	[smem:$0x3FAD] =	sst s5  }
0xe: {  	[smem:$0x3FAE] =	sst s6  }
0xf: {  	[smem:$0x3FAF] =	sst s7  }
0x10: {  	[smem:$0x3FB0] =	sst s8  }
0x11: {  	[smem:$0x3FB1] =	sst s9;
	s0 =	simm.s32 @!p0 $0x0  }
0x12: {  	s1 =	sld [smem:$0x3F97];
	s0 =	simm.s32 @p0 $0x1  }
0x13: {  	[smem:$0x3FB2] =	sst s0;
	s0 =	simm.s32 @!p1 $0x0  }
0x14: {  	s2 =	sld [smem:$0x3F96];
	s0 =	simm.s32 @p1 $0x1  }
0x15: {  	[smem:$0x3FB3] =	sst s0;
	s0 =	simm.s32 @!p2 $0x0  }
0x16: {  	s3 =	sld [smem:$0x3FDB];
	s0 =	simm.s32 @p2 $0x1  }
0x17: {  	s4 =	simm.s32 $0x1BF5;
	[smem:$0x3FB5] =	sst s0  }
0x18: {  	s0 =	sld [smem:$0x3F98];
	_ =	swait.ge [sflag:s4], $0x0  }
0x19: {  	s7 =	sld [smem:$0x3F99]  }
0x1a: {  	s8 =	sadd.s32 $0xFFFFE003, lr  }
0x1b: {  	s9 =	sadd.s32 $0xFFFFFEF7, lr;
	s5 =	simm.s32 $0xFFFFFFFF;
	p2 =	slt.u32 s8, $0xFFFFF086  }
0x1c: {  	p1 =	slt.u32 s9, $0xF7A;
	s5 =	simm.s32 @!p2 $0x0  }
0x1d: {  	s5 =	simm.s32 @p1 $0x1;
	p0 =	seq.s32 s7, s2  }
0x1e: {  	s7 =	smul.u32 @!p0 $0xF7A, s2;
	p2 =	seq.s32 @!p0 s5, $0x0  }
0x1f: {  	s9 =	smul.u32 $0xF7A, s1;
	s8 =	simm.s32 @!p0 $0x1BF5;
	p2 =	por !p2, p0  }
0x20: {  	[sflag:s8] =	ssyncset.s32 @!p0 $0xFFFFF086;
	s6 =	sadd.s32 @!p0 s3, s7;
	s7 =	simm.s32 @!p0 $0x108  }
0x21: {  	s3 =	sadd.s32 s3, s9;
	s6 =	sadd.s32 @!p0 $0x88, s6;
	s7 =	simm.s32 @p2 $0x1082  }
0x22: {  	[simem:s7], [sflag:s8] =	dma.local @!p0 [hbm:s6], $0xF7A  }
0x23: {  	s9 =	sor.u32 $0xD0000000, s2;
	s6 =	simm.s32 $0x108;
	_ =	swait.ge @!p0 [sflag:s8], $0x0  }
0x24: {  	s3 =	sadd.s32 $0x88, s3;
	s6 =	simm.s32 @!p1 $0x1082;
	[sflag:s4] =	ssyncset.s32 $0xFFFFF086  }
0x25: {  	[simem:s6], [sflag:s4] =	dma.local [hbm:s3], $0xF7A  }
0x26: {  	[smem:$0x3F99] =	sst s1;
	(tag) =	ssettag s2;
	_ =	strace s9  }
0x27: {  	s1 =	sld [smem:$0x3FA9]  }
0x28: {  	s2 =	sld [smem:$0x3FAA]  }
0x29: {  	s4 =	sld [smem:$0x3FAC]  }
0x2a: {  	p0 =	seq.s32 s5, $0x0;
	s5 =	sld [smem:$0x3FAD]  }
0x2b: {  	s6 =	sld [smem:$0x3FAE]  }
0x2c: {  	s7 =	sld [smem:$0x3FAF]  }
0x2d: {  	s3 =	simm.s32 $0x108;
	s8 =	sld [smem:$0x3FB0]  }
0x2e: {  	s3 =	simm.s32 @!p0 $0x1082;
	s9 =	sld [smem:$0x3FB1]  }
0x2f: {  	lr =	sadd.s32 s0, s3;
	s0 =	sld [smem:$0x3FA8]  }
0x30: {  	s3 =	sld [smem:$0x3FAB]  }
0x31: {  	[smem:$0x3FB4] =	sst s10  }
0x32: {  	s10 =	sld [smem:$0x3FB2];
	_ =	sdelay $0x3  }
0x33: {  	p0 =	seq.s32 s10, $0x1;
	s10 =	sld [smem:$0x3FB4];
	_ =	sdelay $0x3  }
0x34: {  	[smem:$0x3FB4] =	sst s10  }
0x35: {  	s10 =	sld [smem:$0x3FB3];
	_ =	sdelay $0x3  }
0x36: {  	p1 =	seq.s32 s10, $0x1;
	s10 =	sld [smem:$0x3FB4];
	_ =	sdelay $0x3  }
0x37: {  	[smem:$0x3FB4] =	sst s10  }
0x38: {  	s10 =	sld [smem:$0x3FB5]  }
0x39: {  	_ = 	snop;
	(pc) =	sbr.ind lr, $3  }
0x3a: {  	_ = 	snop  }
0x3b: {  	_ = 	snop  }
0x3c: {  	p2 =	seq.s32 s10, $0x1;
	s10 =	sld [smem:$0x3FB4]  }
0x3d: {  	_ =	shalt  }
0x3e: {  	_ =	shalt  }
0x3f: {  	_ =	shalt  }
0x40: {  	_ =	shalt  }
0x41: {  	_ =	shalt  }
0x42: {  	_ =	shalt  }
0x43: {  	_ =	shalt  }
0x44: {  	_ =	shalt  }
0x45: {  	_ =	shalt  }
0x46: {  	_ =	shalt  }
0x47: {  	_ =	shalt  }
0x48: {  	_ =	shalt  }
0x49: {  	_ =	shalt  }
0x4a: {  	_ =	shalt  }
0x4b: {  	_ =	shalt  }
0x4c: {  	_ =	shalt  }
0x4d: {  	_ =	shalt  }
0x4e: {  	_ =	shalt  }
0x4f: {  	_ =	shalt  }
0x50: {  	_ =	shalt  }
0x51: {  	_ =	shalt  }
0x52: {  	_ =	shalt  }
0x53: {  	_ =	shalt  }
0x54: {  	_ =	shalt  }
0x55: {  	_ =	shalt  }
0x56: {  	_ =	shalt  }
0x57: {  	_ =	shalt  }
0x58: {  	_ =	shalt  }
0x59: {  	_ =	shalt  }
0x5a: {  	_ =	shalt  }
0x5b: {  	_ =	shalt  }
0x5c: {  	_ =	shalt  }
0x5d: {  	_ =	shalt  }
0x5e: {  	_ =	shalt  }
0x5f: {  	_ =	shalt  }
0x60: {  	_ =	shalt  }
0x61: {  	_ =	shalt  }
0x62: {  	_ =	shalt  }
0x63: {  	_ =	shalt  }
0x64: {  	_ =	shalt  }
0x65: {  	_ =	shalt  }
0x66: {  	_ =	shalt  }
0x67: {  	_ =	shalt  }
0x68: {  	_ =	shalt  }
0x69: {  	_ =	shalt  }
0x6a: {  	_ =	shalt  }
0x6b: {  	_ =	shalt  }
0x6c: {  	_ =	shalt  }
0x6d: {  	_ =	shalt  }
0x6e: {  	_ =	shalt  }
0x6f: {  	_ =	shalt  }
0x70: {  	_ =	shalt  }
0x71: {  	_ =	shalt  }
0x72: {  	_ =	shalt  }
0x73: {  	_ =	shalt  }
0x74: {  	_ =	shalt  }
0x75: {  	_ =	shalt  }
0x76: {  	_ =	shalt  }
0x77: {  	_ =	shalt  }
0x78: {  	_ =	shalt  }
0x79: {  	_ =	shalt  }
0x7a: {  	_ =	shalt  }
0x7b: {  	_ =	shalt  }
0x7c: {  	_ =	shalt  }
0x7d: {  	_ =	shalt  }
0x7e: {  	_ =	shalt  }
0x7f: {  	_ =	shalt  }
0x80: {  	_ =	shalt  }
0x81: {  	_ =	shalt  }
0x82: {  	_ =	shalt  }
0x83: {  	_ =	shalt  }
0x84: {  	_ =	shalt  }
0x85: {  	_ =	shalt  }
0x86: {  	_ =	shalt  }
0x87: {  	_ =	shalt  }
.Lfunc_end0:
.L_simem_size_0:
called_computation_lowered:
.L_overlay_start_0:
0x88: {  	s2 =	sld [smem:$0x3FD9]  }
0x89: {  	s3 =	sld [smem:$0x3FFE];
	_ =	sdelay $0x1  }
0x8a: {  	s1 =	srdreg.scid  }
0x8b: {  	s0 =	sand.u32 $0x1, s1  }
0x8c: {  	s16 =	sshll.u32 s0, $0xA;
	s2 =	sadd.s32 s3, s2  }
0x8d: {  	s2 =	sadd.s32 s2, s16  }
0x8e: {  	[smem:$0x3FC0] =	sst s2  }
0x8f: {  	_ = 	snop  }
0x90: {  	(tm) =	ssettm $0x1  }
0x91: {  	s17 =	sld [smem:$0x3FFB];
	_ =	sdelay $0x3  }
0x92: {  	_ =	strace s17  }
0x93: {  	s2 =	sld [smem:$0x3FFC];
	_ =	sdelay $0x3  }
0x94: {  	_ =	strace s2  }
0x95: {  	s2 =	sld [smem:$0x3FFD];
	_ =	sdelay $0x3  }
0x96: {  	_ =	strace s2  }
0x97: {  	_ =	strace $0x8FFFFFFF  }
0x98: {  	s18 =	sld [smem:$0x3FDB];
	_ =	sdelay $0x1  }
0x99: {  	s19 =	simm.s32 $_scs_section_size  }
0x9a: {  	s4 =	simm.s32 $_size__tile_overlayer_lowered;
	s5 =	simm.s32 $_tile_overlayer_lowered  }
0x9b: {  	s22 =	simm.s32 $0x1BFF;
	s21 =	sshll.u32 s5, $0x1;
	s2 =	sadd.s32 s19, s18  }
0x9c: {  	s6 =	simm.s32 $0x0;
	s20 =	sshll.u32 s4, $0x1;
	s4 =	sadd.s32 s21, s2  }
0x9d: {  	[timem:s6], [sflag:s22] =	dma.local [hbm:s4], s20  }
0x9e: {  	_ =	swait.ge [sflag:s22], s20  }
0x9f: {  	s3 =	ssub.s32 $0x0, s20;
	[sflag:s22] =	ssyncset.done $0x0  }
0xa0: {  	[sflag:s22] =	ssyncadd.s32 s3;
	_ =	sdelay $0x1  }
0xa1: {  	s23 =	simm.s32 $0x1B8B  }
0xa2: {  	_ =	swait.ge [sflag:s23], $0x1  }
0xa3: {  	[sflag:s23] =	ssyncset.done $0x0  }
0xa4: {  	s25 =	simm.s32 $0x1B8E;
	s24 =	sld [smem:$0x3FFE];
	[sflag:s23] =	ssyncadd.s32 $0xFFFFFFFF  }
0xa5: {  	s26 =	simm.s32 $execute0_lowered;
	[smem:$0x3FD2] =	sst s25  }
0xa6: {  	s4 =	sshll.u32 s26, $0x1;
	_ =	strace $0x80000046;
	[dreg:$0x1] =	wrdreg $0xFFFFFFFF  }
0xa7: {  	s28 =	simm.s32 $_size_execute0_lowered;
	s2 =	sadd.s32 s2, s4;
	[dreg:$0x0] =	wrdreg $0x0  }
0xa8: {  	s4 =	sshll.u32 s28, $0x1;
	[dreg:$0x2] =	wrdreg s2  }
0xa9: {  	[dreg:$0x3] =	wrdreg s4  }
0xaa: {  	[dreg:$0x4] =	wrdreg $0xC0  }
0xab: {  	_ =	task [dreg:s6], $0x5FFFF  }
0xac: {  	[dreg:$0x1] =	wrdreg $0xFFFFFFFF  }
0xad: {  	[dreg:$0x0] =	wrdreg $0x60  }
0xae: {  	[dreg:$0x2] =	wrdreg s24  }
0xaf: {  	[dreg:$0x3] =	wrdreg $0x2B000  }
0xb0: {  	[dreg:$0x4] =	wrdreg $0x9  }
0xb1: {  	_ =	task.clear_ibuf [dreg:s6], $0x5FFFF;
	_ =	strace $0x90000046  }
0xb2: {  	s29 =	simm.s32 $0x9;
	_ =	strace $0x80000048  }
0xb3: {  	_ =	swait.ge [sflag:s29], $0x1  }
0xb4: {  	[sflag:s29] =	ssyncadd.s32 $0xFFFFFFFF  }
0xb5: {  	_ =	strace $0x90000048  }
0xb6: {  	_ =	sfence  }
0xb7: {  	s30 =	sld [smem:$0x0];
	_ =	sdelay $0x2  }
0xb8: {  	s31 =	sshll.u32 s1, $0xD;
	s1 =	sshrl.u32 s1, $0x2  }
0xb9: {  	s3 =	sand.u32 $0x4000, s31;
	s1 =	sadd.s32 s1, s30  }
0xba: {  	s0 =	sor.u32 s3, s0;
	s1 =	sshll.u32 s1, $0x11  }
0xbb: {  	s0 =	sor.u32 s1, s0  }
0xbc: {  	s0 =	sadd.s32 $0x8F2B, s0  }
0xbd: {  	[sflag:s0] =	ssyncadd.remote.s32 $0x1  }
0xbe: {  	_ =	sfence.sel $0xFFFF  }
0xbf: {  	[dreg:$0x0] =	wrdreg $0xFFFFFFFF;
	(pc) =	sbr.abs _section_cstart, $3  }
0xc0: {  	[dreg:$0x1] =	wrdreg $0xFFFFFFFF  }
0xc1: {  	_ =	task.clear_ibuf [dreg:s6], $0x2FFFF;
	_ =	strace $0x9FFFFFFF  }
0xc2: {  	(tm) =	ssettm $0x7FFFFFFF  }
0xc3: {  	_ =	shalt  }
tec
execute0_lowered:
.L_overlay_start_1:
0x0: {  	(tag) =	ssettag $0x1  }
0x1: {  	s4 =	rddreg [dreg:$0x0];
	s0 =	srdreg.scid  }
0x2: {  	s2 =	rddreg [dreg:$0x1];
	s1 =	stileid.u32  }
0x3: {  	s3 =	simm.s32 $0x0;
	s10 =	simm.s32 $0x80;
	s11 =	simm.s32 $0x2800  }
0x4: {  	s14 =	simm.s32 $0x20;
	s15 =	simm.s32 $0x10;
	s16 =	simm.s32 $0x0  }
0x5: {  	s5 =	sand.u32 $0x1, s0;
	s0 =	rddreg [dreg:$0x2];
	s7 =	smul.u32 $0x500, s1  }
0x6: {  	[smem:$0x7FF] =	sst s3;
	s30 =	smul.u32 $0xA00, s1;
	s12 =	sshll.u32 s1, $0x6  }
0x7: {  	s6 =	sshll.u32 s5, $0x4;
	s8 =	sshll.u32 s5, $0x7;
	_ =	strace $0x80000047  }
0x8: {  	s5 =	ssub.s32 $0x2, s5;
	s12 =	sor.u32 $0x1C01, s12;
	s6 =	sor.u32 s1, s6  }
0x9: {  	s7 =	sor.u32 s8, s7;
	s31 =	sshrl.u32 s5, $0x1;
	s6 =	smul.u32 $0x500, s6  }
0xa: {  	s8 =	sshrl.u32 s30, $0x2;
	s7 =	sshrl.u32 s7, $0x3;
	s9 =	ssub.s32 s5, s31  }
0xb: {  	s5 =	sadd.s32 s8, s2;
	s8 =	simm.s32 $0x1;
	s6 =	sadd.s32 s6, s4  }
0xc: {  	s7 =	sadd.s32 s7, s4;
	s13 =	sshrl.u32 s5, $0x3;
	s4 =	sadd.s32 $0x1800, s6  }
0xd: {  	v0 =	vimm.f32 $0.0e+00;
	v1 =	vimm.f32 $1.000000000e+00;
	s6 =	sadd.s32 $0xB800, s7;
	s7 =	smax.u32 s9, $0x1;
	s9 =	simm.s32 $0x2880  }
.LBB2_1:
0xe: {  	[tilespmem:s3], [sflag:$0x1] =	stream.linear.gather [hbm4b:s4+s3], $0x2780, $0x38;
	[tilespmem:$0x2D80] =	vst v63  }
0xf: {  	_ =	swait.ge [sflag:s8], $0x2780  }
0x10: {  	[sflag:s8] =	ssyncset.done $0x0  }
0x11: {  	[sflag:s8] =	ssyncadd.s32 $0xFFFFD880  }
0x12: {  	[tilespmem:$0x2880] =	vst v0  }
0x13: {  	[tilespmem:$0x2890] =	vst v0  }
0x14: {  	[tilespmem:$0x28A0] =	vst v0  }
0x15: {  	[tilespmem:$0x28B0] =	vst v0  }
0x16: {  	[tilespmem:$0x28C0] =	vst v0  }
0x17: {  	[tilespmem:$0x28D0] =	vst v0  }
0x18: {  	[tilespmem:$0x28E0] =	vst v0  }
0x19: {  	[tilespmem:$0x28F0] =	vst v0  }
0x1a: {  	[tilespmem:$0x2900] =	vst v0  }
0x1b: {  	[tilespmem:$0x2910] =	vst v0  }
0x1c: {  	[tilespmem:$0x2920] =	vst v0  }
0x1d: {  	[tilespmem:$0x2930] =	vst v0  }
0x1e: {  	[tilespmem:$0x2940] =	vst v0  }
0x1f: {  	[tilespmem:$0x2950] =	vst v0  }
0x20: {  	[tilespmem:$0x2960] =	vst v0  }
0x21: {  	[tilespmem:$0x2970] =	vst v0  }
0x22: {  	[tilespmem:$0x2980] =	vst v0  }
0x23: {  	[tilespmem:$0x2990] =	vst v0  }
0x24: {  	[tilespmem:$0x29A0] =	vst v0  }
0x25: {  	[tilespmem:$0x29B0] =	vst v0  }
0x26: {  	[tilespmem:$0x29C0] =	vst v0  }
0x27: {  	[tilespmem:$0x29D0] =	vst v0  }
0x28: {  	[tilespmem:$0x29E0] =	vst v0  }
0x29: {  	[tilespmem:$0x29F0] =	vst v0  }
0x2a: {  	[tilespmem:$0x2A00] =	vst v0  }
0x2b: {  	[tilespmem:$0x2A10] =	vst v0  }
0x2c: {  	[tilespmem:$0x2A20] =	vst v0  }
0x2d: {  	[tilespmem:$0x2A30] =	vst v0  }
0x2e: {  	[tilespmem:$0x2A40] =	vst v0  }
0x2f: {  	[tilespmem:$0x2A50] =	vst v0  }
0x30: {  	[tilespmem:$0x2A60] =	vst v0  }
0x31: {  	[tilespmem:$0x2A70] =	vst v0  }
0x32: {  	[tilespmem:$0x2A80] =	vst v0  }
0x33: {  	[tilespmem:$0x2A90] =	vst v0  }
0x34: {  	[tilespmem:$0x2AA0] =	vst v0  }
0x35: {  	[tilespmem:$0x2AB0] =	vst v0  }
0x36: {  	[tilespmem:$0x2AC0] =	vst v0  }
0x37: {  	[tilespmem:$0x2AD0] =	vst v0  }
0x38: {  	[tilespmem:$0x2AE0] =	vst v0  }
0x39: {  	[tilespmem:$0x2AF0] =	vst v0  }
0x3a: {  	[tilespmem:$0x2800] =	vst v1  }
0x3b: {  	[tilespmem:$0x2810] =	vst v1  }
0x3c: {  	[tilespmem:$0x2820] =	vst v1  }
0x3d: {  	[tilespmem:$0x2830] =	vst v1  }
0x3e: {  	[tilespmem:$0x2840] =	vst v1  }
0x3f: {  	[tilespmem:$0x2850] =	vst v1  }
0x40: {  	[tilespmem:$0x2860] =	vst v1  }
0x41: {  	[tilespmem:$0x2870] =	vst v1  }
0x42: {  	[spmem:s5] =	stream.linear.scatter [tilespmem:s9], [sflag:$0x1], $0x280, $0x38;
	[tilespmem:$0x2D80] =	vst v63  }
0x43: {  	_ =	swait.ge [sflag:s8], $0x280  }
0x44: {  	[sflag:s8] =	ssyncset.done $0x0  }
0x45: {  	[sflag:s8] =	ssyncadd.s32 $0xFFFFFD80  }
0x46: {  	s17 =	simm.s32 $0x0;
	[bflag:$0x0] =	sbarrier.arrive $0xFFFF  }
0x47: {  	[spmem:s2] =	stream.indirect.scatter.add.f32 [tilespmem:s11], [sflag:$0x1], $0x1, s17, s10, $0xb8;
	[tilespmem:$0x2D80] =	vst v63  }
0x48: {  	_ =	swait.ge [sflag:s8], $0x80  }
0x49: {  	s17 =	simm.s32 $0x200;
	[sflag:s8] =	ssyncset.done $0x0  }
.LBB2_2:
0x4a: {  	s18 =	sshra.s32 s17, $0x2;
	[sflag:s8] =	ssyncadd.s32 $0xFFFFFF80;
	p0 =	sne.s32 s17, $0x9C00  }
0x4b: {  	[spmem:s2] =	stream.indirect.scatter.add.f32 [tilespmem:s11], [sflag:$0x1], $0x1, s18, s10, $0xb8;
	[tilespmem:$0x2D80] =	vst v63  }
.Ltmp0:
0x4c: {  	_ = 	snop;
	(pc) =	sbr.rel @p0 .LBB2_2-.Ltmp0, $4  }
0x4d: {  	_ = 	snop  }
0x4e: {  	s17 =	sadd.s32 $0x200, s17  }
0x4f: {  	_ =	swait.ge [sflag:s8], $0x80  }
0x50: {  	[sflag:s8] =	ssyncset.done $0x0  }
0x51: {  	s16 =	sadd.s32 $0x1, s16  }
0x52: {  	[sflag:s8] =	ssyncadd.s32 $0xFFFFFF80;
	p0 =	sne.s32 s16, s7  }
.Ltmp1:
0x53: {  	[bflag:$0x0] =	sbarrier.arrive $0xFFFF;
	(pc) =	sbr.rel @p0 .LBB2_1-.Ltmp1, $4  }
0x54: {  	[hbm:s6@s14], [sflag:s12] =	dma.strided [spmem:s13@s15], $0x50, s8, $0x10   }
0x55: {  	_ =	swait.ge [sflag:s8], $0x50  }
0x56: {  	[sflag:s8] =	ssyncset.done $0x0  }
0x57: {  	[sflag:s8] =	ssyncadd.s32 $0xFFFFFFB0  }
0x58: {  	_ =	sfence.sel $0x180000  }
0x59: {  	[bflag:$0x0] =	sbarrier.arrive $0xFFFF  }
0x5a: {  	p0 =	sne.s32 s1, $0x0;
	_ =	strace $0x90000047  }
0x5b: {  	s0 =	sadd.s32 @!p0 $0x100000, s0;
	[bflag:$0x2] =	sbarrier.arrive $0xFFFF  }
0x5c: {  	[sflag:s0] =	ssyncadd.tile.s32 @!p0 $0x1;
	_ =	shalt  }
.Lfunc_end2:
_tile_overlayer_lowered:
.L_overlay_start_2:
0x5d: {  	(tag) =	ssettag $0x2  }
0x5e: {  	s0 =	rddreg [dreg:$0x0];
	s2 =	stileid.u32  }
0x5f: {  	s1 =	rddreg [dreg:$0x1];
	p0 =	sne.s32 s2, $0x0  }
0x60: {  	s3 =	rddreg [dreg:$0x2];
	[bflag:$0x3] =	sbarrier.arrive $0xFFFF;
	s2 =	simm.s32 @!p0 $0x1C01  }
0x61: {  	[timem:s3], [sflag:s2] =	dma.local @!p0 [hbm:s0], s1  }
0x62: {  	s0 =	simm.s32 @!p0 $0x1  }
0x63: {  	_ =	swait.ge @!p0 [sflag:s0], s1  }
0x64: {  	s1 =	ssub.s32 @!p0 $0x0, s1;
	[sflag:s0] =	ssyncset.done @!p0 $0x0  }
0x65: {  	[sflag:s0] =	ssyncadd.s32 @!p0 s1  }
0x66: {  	[bflag:$0x3] =	sbarrier.arrive $0xFFFF  }
0x67: {  	_ =	shalt  }

// kernel: kernel.9.cloned.1.call-start
scs
__scs_entry_jumppad:
0x0: {  	(pc) =	sbr.rel $0x88, $3  }
0x1: {  	(tag) =	ssettag $0x0;
	lr =	simm.s32 $0x1  }
0x2: {  	[smem:$0x3F99] =	sst lr;
	_ =	strace $0xD0000000  }
0x3: {  	_ = 	snop  }
0x4: {  	_ = 	snop  }
0x5: {  	_ = 	snop  }
0x6: {  	_ = 	snop  }
0x7: {  	_ = 	snop  }
__scs_overlays_trampoline_lowered:
0x8: {  	[smem:$0x3FA8] =	sst s0  }
0x9: {  	[smem:$0x3FA9] =	sst s1  }
0xa: {  	[smem:$0x3FAA] =	sst s2  }
0xb: {  	[smem:$0x3FAB] =	sst s3  }
0xc: {  	[smem:$0x3FAC] =	sst s4  }
0xd: {  	[smem:$0x3FAD] =	sst s5  }
0xe: {  	[smem:$0x3FAE] =	sst s6  }
0xf: {  	[smem:$0x3FAF] =	sst s7  }
0x10: {  	[smem:$0x3FB0] =	sst s8  }
0x11: {  	[smem:$0x3FB1] =	sst s9;
	s0 =	simm.s32 @!p0 $0x0  }
0x12: {  	s1 =	sld [smem:$0x3F97];
	s0 =	simm.s32 @p0 $0x1  }
0x13: {  	[smem:$0x3FB2] =	sst s0;
	s0 =	simm.s32 @!p1 $0x0  }
0x14: {  	s2 =	sld [smem:$0x3F96];
	s0 =	simm.s32 @p1 $0x1  }
0x15: {  	[smem:$0x3FB3] =	sst s0;
	s0 =	simm.s32 @!p2 $0x0  }
0x16: {  	s3 =	sld [smem:$0x3FDB];
	s0 =	simm.s32 @p2 $0x1  }
0x17: {  	s4 =	simm.s32 $0x1BF5;
	[smem:$0x3FB5] =	sst s0  }
0x18: {  	s0 =	sld [smem:$0x3F98];
	_ =	swait.ge [sflag:s4], $0x0  }
0x19: {  	s7 =	sld [smem:$0x3F99]  }
0x1a: {  	s8 =	sadd.s32 $0xFFFFE003, lr  }
0x1b: {  	s9 =	sadd.s32 $0xFFFFFEF7, lr;
	s5 =	simm.s32 $0xFFFFFFFF;
	p2 =	slt.u32 s8, $0xFFFFF086  }
0x1c: {  	p1 =	slt.u32 s9, $0xF7A;
	s5 =	simm.s32 @!p2 $0x0  }
0x1d: {  	s5 =	simm.s32 @p1 $0x1;
	p0 =	seq.s32 s7, s2  }
0x1e: {  	s7 =	smul.u32 @!p0 $0xF7A, s2;
	p2 =	seq.s32 @!p0 s5, $0x0  }
0x1f: {  	s9 =	smul.u32 $0xF7A, s1;
	s8 =	simm.s32 @!p0 $0x1BF5;
	p2 =	por !p2, p0  }
0x20: {  	[sflag:s8] =	ssyncset.s32 @!p0 $0xFFFFF086;
	s6 =	sadd.s32 @!p0 s3, s7;
	s7 =	simm.s32 @!p0 $0x108  }
0x21: {  	s3 =	sadd.s32 s3, s9;
	s6 =	sadd.s32 @!p0 $0x88, s6;
	s7 =	simm.s32 @p2 $0x1082  }
0x22: {  	[simem:s7], [sflag:s8] =	dma.local @!p0 [hbm:s6], $0xF7A  }
0x23: {  	s9 =	sor.u32 $0xD0000000, s2;
	s6 =	simm.s32 $0x108;
	_ =	swait.ge @!p0 [sflag:s8], $0x0  }
0x24: {  	s3 =	sadd.s32 $0x88, s3;
	s6 =	simm.s32 @!p1 $0x1082;
	[sflag:s4] =	ssyncset.s32 $0xFFFFF086  }
0x25: {  	[simem:s6], [sflag:s4] =	dma.local [hbm:s3], $0xF7A  }
0x26: {  	[smem:$0x3F99] =	sst s1;
	(tag) =	ssettag s2;
	_ =	strace s9  }
0x27: {  	s1 =	sld [smem:$0x3FA9]  }
0x28: {  	s2 =	sld [smem:$0x3FAA]  }
0x29: {  	s4 =	sld [smem:$0x3FAC]  }
0x2a: {  	p0 =	seq.s32 s5, $0x0;
	s5 =	sld [smem:$0x3FAD]  }
0x2b: {  	s6 =	sld [smem:$0x3FAE]  }
0x2c: {  	s7 =	sld [smem:$0x3FAF]  }
0x2d: {  	s3 =	simm.s32 $0x108;
	s8 =	sld [smem:$0x3FB0]  }
0x2e: {  	s3 =	simm.s32 @!p0 $0x1082;
	s9 =	sld [smem:$0x3FB1]  }
0x2f: {  	lr =	sadd.s32 s0, s3;
	s0 =	sld [smem:$0x3FA8]  }
0x30: {  	s3 =	sld [smem:$0x3FAB]  }
0x31: {  	[smem:$0x3FB4] =	sst s10  }
0x32: {  	s10 =	sld [smem:$0x3FB2];
	_ =	sdelay $0x3  }
0x33: {  	p0 =	seq.s32 s10, $0x1;
	s10 =	sld [smem:$0x3FB4];
	_ =	sdelay $0x3  }
0x34: {  	[smem:$0x3FB4] =	sst s10  }
0x35: {  	s10 =	sld [smem:$0x3FB3];
	_ =	sdelay $0x3  }
0x36: {  	p1 =	seq.s32 s10, $0x1;
	s10 =	sld [smem:$0x3FB4];
	_ =	sdelay $0x3  }
0x37: {  	[smem:$0x3FB4] =	sst s10  }
0x38: {  	s10 =	sld [smem:$0x3FB5]  }
0x39: {  	_ = 	snop;
	(pc) =	sbr.ind lr, $3  }
0x3a: {  	_ = 	snop  }
0x3b: {  	_ = 	snop  }
0x3c: {  	p2 =	seq.s32 s10, $0x1;
	s10 =	sld [smem:$0x3FB4]  }
0x3d: {  	_ =	shalt  }
0x3e: {  	_ =	shalt  }
0x3f: {  	_ =	shalt  }
0x40: {  	_ =	shalt  }
0x41: {  	_ =	shalt  }
0x42: {  	_ =	shalt  }
0x43: {  	_ =	shalt  }
0x44: {  	_ =	shalt  }
0x45: {  	_ =	shalt  }
0x46: {  	_ =	shalt  }
0x47: {  	_ =	shalt  }
0x48: {  	_ =	shalt  }
0x49: {  	_ =	shalt  }
0x4a: {  	_ =	shalt  }
0x4b: {  	_ =	shalt  }
0x4c: {  	_ =	shalt  }
0x4d: {  	_ =	shalt  }
0x4e: {  	_ =	shalt  }
0x4f: {  	_ =	shalt  }
0x50: {  	_ =	shalt  }
0x51: {  	_ =	shalt  }
0x52: {  	_ =	shalt  }
0x53: {  	_ =	shalt  }
0x54: {  	_ =	shalt  }
0x55: {  	_ =	shalt  }
0x56: {  	_ =	shalt  }
0x57: {  	_ =	shalt  }
0x58: {  	_ =	shalt  }
0x59: {  	_ =	shalt  }
0x5a: {  	_ =	shalt  }
0x5b: {  	_ =	shalt  }
0x5c: {  	_ =	shalt  }
0x5d: {  	_ =	shalt  }
0x5e: {  	_ =	shalt  }
0x5f: {  	_ =	shalt  }
0x60: {  	_ =	shalt  }
0x61: {  	_ =	shalt  }
0x62: {  	_ =	shalt  }
0x63: {  	_ =	shalt  }
0x64: {  	_ =	shalt  }
0x65: {  	_ =	shalt  }
0x66: {  	_ =	shalt  }
0x67: {  	_ =	shalt  }
0x68: {  	_ =	shalt  }
0x69: {  	_ =	shalt  }
0x6a: {  	_ =	shalt  }
0x6b: {  	_ =	shalt  }
0x6c: {  	_ =	shalt  }
0x6d: {  	_ =	shalt  }
0x6e: {  	_ =	shalt  }
0x6f: {  	_ =	shalt  }
0x70: {  	_ =	shalt  }
0x71: {  	_ =	shalt  }
0x72: {  	_ =	shalt  }
0x73: {  	_ =	shalt  }
0x74: {  	_ =	shalt  }
0x75: {  	_ =	shalt  }
0x76: {  	_ =	shalt  }
0x77: {  	_ =	shalt  }
0x78: {  	_ =	shalt  }
0x79: {  	_ =	shalt  }
0x7a: {  	_ =	shalt  }
0x7b: {  	_ =	shalt  }
0x7c: {  	_ =	shalt  }
0x7d: {  	_ =	shalt  }
0x7e: {  	_ =	shalt  }
0x7f: {  	_ =	shalt  }
0x80: {  	_ =	shalt  }
0x81: {  	_ =	shalt  }
0x82: {  	_ =	shalt  }
0x83: {  	_ =	shalt  }
0x84: {  	_ =	shalt  }
0x85: {  	_ =	shalt  }
0x86: {  	_ =	shalt  }
0x87: {  	_ =	shalt  }
.Lfunc_end0:
.L_simem_size_0:
called_computation.1_lowered:
.L_overlay_start_0:
0x88: {  	s2 =	sld [smem:$0x3FD9]  }
0x89: {  	s3 =	sld [smem:$0x3FFE];
	_ =	sdelay $0x1  }
0x8a: {  	s1 =	srdreg.scid  }
0x8b: {  	s0 =	sand.u32 $0x1, s1  }
0x8c: {  	s16 =	sshll.u32 s0, $0xA;
	s2 =	sadd.s32 s3, s2  }
0x8d: {  	s2 =	sadd.s32 s2, s16  }
0x8e: {  	[smem:$0x3FC0] =	sst s2  }
0x8f: {  	_ = 	snop  }
0x90: {  	(tm) =	ssettm $0x1  }
0x91: {  	s17 =	sld [smem:$0x3FFB];
	_ =	sdelay $0x3  }
0x92: {  	_ =	strace s17  }
0x93: {  	s2 =	sld [smem:$0x3FFC];
	_ =	sdelay $0x3  }
0x94: {  	_ =	strace s2  }
0x95: {  	s2 =	sld [smem:$0x3FFD];
	_ =	sdelay $0x3  }
0x96: {  	_ =	strace s2  }
0x97: {  	_ =	strace $0x8FFFFFFF  }
0x98: {  	s18 =	sld [smem:$0x3FDB];
	_ =	sdelay $0x1  }
0x99: {  	s19 =	simm.s32 $_scs_section_size  }
0x9a: {  	s4 =	simm.s32 $_size__tile_overlayer_lowered;
	s5 =	simm.s32 $_tile_overlayer_lowered  }
0x9b: {  	s22 =	simm.s32 $0x1BFF;
	s21 =	sshll.u32 s5, $0x1;
	s2 =	sadd.s32 s19, s18  }
0x9c: {  	s6 =	simm.s32 $0x0;
	s20 =	sshll.u32 s4, $0x1;
	s4 =	sadd.s32 s21, s2  }
0x9d: {  	[timem:s6], [sflag:s22] =	dma.local [hbm:s4], s20  }
0x9e: {  	_ =	swait.ge [sflag:s22], s20  }
0x9f: {  	s3 =	ssub.s32 $0x0, s20;
	[sflag:s22] =	ssyncset.done $0x0  }
0xa0: {  	[sflag:s22] =	ssyncadd.s32 s3;
	_ =	sdelay $0x1  }
0xa1: {  	s23 =	simm.s32 $0x1B8B  }
0xa2: {  	_ =	swait.ge [sflag:s23], $0x1  }
0xa3: {  	[sflag:s23] =	ssyncset.done $0x0  }
0xa4: {  	s25 =	simm.s32 $0x1B8E;
	s24 =	sld [smem:$0x3FFE];
	[sflag:s23] =	ssyncadd.s32 $0xFFFFFFFF  }
0xa5: {  	s26 =	simm.s32 $execute0_lowered;
	[smem:$0x3FD2] =	sst s25  }
0xa6: {  	s4 =	sshll.u32 s26, $0x1;
	_ =	strace $0x80000049;
	[dreg:$0x1] =	wrdreg $0xFFFFFFFF  }
0xa7: {  	s28 =	simm.s32 $_size_execute0_lowered;
	s2 =	sadd.s32 s2, s4;
	[dreg:$0x0] =	wrdreg $0x0  }
0xa8: {  	s4 =	sshll.u32 s28, $0x1;
	[dreg:$0x2] =	wrdreg s2  }
0xa9: {  	[dreg:$0x3] =	wrdreg s4  }
0xaa: {  	[dreg:$0x4] =	wrdreg $0xC0  }
0xab: {  	_ =	task [dreg:s6], $0x5FFFF  }
0xac: {  	[dreg:$0x1] =	wrdreg $0xFFFFFFFF  }
0xad: {  	[dreg:$0x0] =	wrdreg $0x60  }
0xae: {  	[dreg:$0x2] =	wrdreg s24  }
0xaf: {  	[dreg:$0x3] =	wrdreg $0x90800  }
0xb0: {  	[dreg:$0x4] =	wrdreg $0x1D0800  }
0xb1: {  	[dreg:$0x5] =	wrdreg $0x9  }
0xb2: {  	_ =	task.clear_ibuf [dreg:s6], $0x6FFFF;
	_ =	strace $0x90000049  }
0xb3: {  	s29 =	simm.s32 $0x9;
	_ =	strace $0x8000004B  }
0xb4: {  	_ =	swait.ge [sflag:s29], $0x1  }
0xb5: {  	[sflag:s29] =	ssyncadd.s32 $0xFFFFFFFF  }
0xb6: {  	_ =	strace $0x9000004B  }
0xb7: {  	_ =	sfence  }
0xb8: {  	s30 =	sld [smem:$0x0];
	_ =	sdelay $0x2  }
0xb9: {  	s31 =	sshll.u32 s1, $0xD;
	s1 =	sshrl.u32 s1, $0x2  }
0xba: {  	s3 =	sand.u32 $0x4000, s31;
	s1 =	sadd.s32 s1, s30  }
0xbb: {  	s0 =	sor.u32 s3, s0;
	s1 =	sshll.u32 s1, $0x11  }
0xbc: {  	s0 =	sor.u32 s1, s0  }
0xbd: {  	s0 =	sadd.s32 $0x8F2B, s0  }
0xbe: {  	[sflag:s0] =	ssyncadd.remote.s32 $0x1  }
0xbf: {  	_ =	sfence.sel $0xFFFF  }
0xc0: {  	[dreg:$0x0] =	wrdreg $0xFFFFFFFF;
	(pc) =	sbr.abs _section_cstart, $3  }
0xc1: {  	[dreg:$0x1] =	wrdreg $0xFFFFFFFF  }
0xc2: {  	_ =	task.clear_ibuf [dreg:s6], $0x2FFFF;
	_ =	strace $0x9FFFFFFF  }
0xc3: {  	(tm) =	ssettm $0x7FFFFFFF  }
tec
execute0_lowered:
.L_overlay_start_1:
0x0: {  	(tag) =	ssettag $0x1  }
0x1: {  	s0 =	srdreg.scid  }
0x2: {  	s4 =	stileid.u32;
	s7 =	rddreg [dreg:$0x0]  }
0x3: {  	s2 =	rddreg [dreg:$0x1];
	s6 =	smul.u32 $0x14000, s4  }
0x4: {  	s3 =	rddreg [dreg:$0x2];
	s9 =	smul.u32 $0x500, s4  }
0x5: {  	s8 =	simm.s32 $0x0;
	s28 =	simm.s32 $0x1;
	s15 =	smul.u32 $0x280, s4  }
0x6: {  	s29 =	simm.s32 $0x2;
	s0 =	sand.u32 $0x1, s0;
	s10 =	smul.u32 $0x50000, s4  }
0x7: {  	[smem:$0x7FF] =	sst s8;
	s1 =	sshll.u32 s0, $0x4;
	s5 =	smul.u32 $0x140000, s0  }
0x8: {  	_ =	strace $0x8000004A;
	s22 =	sshll.u32 s0, $0x7;
	s0 =	ssub.s32 $0x2, s0  }
0x9: {  	s1 =	sor.u32 s4, s1;
	s8 =	sor.u32 s22, s9;
	s23 =	sshrl.u32 s0, $0x1  }
0xa: {  	s24 =	sshrl.u32 s10, $0x2;
	s12 =	sadd.s32 $0x80, s15;
	s14 =	sadd.s32 $0x100, s15  }
0xb: {  	s10 =	sadd.s32 s15, s3;
	s30 =	sadd.s32 $0x180, s15;
	s18 =	sadd.s32 $0x200, s15  }
0xc: {  	s22 =	simm.s32 $0x3;
	s1 =	smul.u32 $0x500, s1;
	s6 =	sadd.s32 s6, s5  }
0xd: {  	s5 =	sadd.s32 $0x16200, s7;
	s8 =	sshrl.u32 s8, $0x3;
	s0 =	ssub.s32 s0, s23  }
0xe: {  	s9 =	sadd.s32 s24, s2;
	s25 =	sshll.u32 s12, $0x7;
	s26 =	sshll.u32 s14, $0x7  }
0xf: {  	s12 =	sadd.s32 s12, s3;
	s14 =	sadd.s32 s14, s3;
	s16 =	sshll.u32 s30, $0x7  }
0x10: {  	s31 =	sshll.u32 s18, $0x7;
	s18 =	sadd.s32 s18, s3;
	s24 =	simm.s32 $0x5000  }
0x11: {  	s21 =	sshrl.u32 s6, $0x3;
	s6 =	sadd.s32 $0xB800, s7;
	s20 =	sadd.s32 s8, s7  }
0x12: {  	s11 =	sadd.s32 s25, s2;
	s13 =	sadd.s32 s26, s2;
	s15 =	sadd.s32 s16, s2  }
0x13: {  	s16 =	sadd.s32 s30, s3;
	s17 =	sadd.s32 s31, s2;
	s25 =	simm.s32 $0x9000  }
0x14: {  	s26 =	simm.s32 $0x80;
	s1 =	sadd.s32 s1, s7;
	s19 =	sadd.s32 s21, s7  }
0x15: {  	s20 =	sadd.s32 $0x3E200, s20;
	s21 =	smax.u32 s0, $0x1;
	s7 =	sadd.s32 $0xC200, s1  }
0x16: {  	v0 =	vimm.f32 $0.0e+00;
	s8 =	sadd.s32 $0x1800, s1;
	s19 =	sadd.s32 $0x3EC00, s19;
	s1 =	simm.s32 $0x0  }
.LBB2_1:
0x17: {  	s0 =	simm.s32 $0x0  }
0x18: {  	[tilespmem:s0], [sflag:$0x3] =	stream.linear.gather [hbm4b:s7+s0], $0x2780, $0x38;
	[tilespmem:$0x1D300] =	vst v63  }
0x19: {  	_ =	swait.ge [sflag:s22], $0x2780  }
0x1a: {  	[sflag:s22] =	ssyncset.done $0x0  }
0x1b: {  	s4 =	simm.s32 $0x2800;
	[sflag:s22] =	ssyncadd.s32 $0xFFFFD880  }
0x1c: {  	[tilespmem:s4], [sflag:$0x3] =	stream.linear.gather [hbm4b:s8+s0], $0x2780, $0x38;
	[tilespmem:$0x1D300] =	vst v63  }
0x1d: {  	_ =	swait.ge [sflag:s22], $0x2780  }
0x1e: {  	[sflag:s22] =	ssyncset.done $0x0  }
0x1f: {  	s23 =	simm.s32 $0x200;
	s0 =	simm.s32 $0x0;
	[sflag:s22] =	ssyncadd.s32 $0xFFFFD880  }
.LBB2_2:
0x20: {  	p0 =	sne.s32 s23, $0xFE00;
	[tilespmem:s0+$0x5070] =	vst v0  }
0x21: {  	[tilespmem:s0+$0x5000] =	vst v0  }
0x22: {  	[tilespmem:s0+$0x5010] =	vst v0  }
.Ltmp0:
0x23: {  	[tilespmem:s0+$0x5020] =	vst v0;
	(pc) =	sbr.rel @p0 .LBB2_2-.Ltmp0, $4  }
0x24: {  	[tilespmem:s0+$0x5030] =	vst v0  }
0x25: {  	[tilespmem:s0+$0x5040] =	vst v0  }
0x26: {  	[tilespmem:s0+$0x5050] =	vst v0  }
0x27: {  	[tilespmem:s0+$0x5060] =	vst v0;
	s0 =	sshra.s32 s23, $0x2;
	s23 =	sadd.s32 $0x200, s23  }
0x28: {  	[tilespmem:s0+$0x5070] =	vst v0  }
0x29: {  	[tilespmem:s0+$0x5000] =	vst v0  }
0x2a: {  	[tilespmem:s0+$0x5010] =	vst v0  }
0x2b: {  	[tilespmem:s0+$0x5020] =	vst v0  }
0x2c: {  	[tilespmem:s0+$0x5030] =	vst v0  }
0x2d: {  	[tilespmem:s0+$0x5040] =	vst v0  }
0x2e: {  	[tilespmem:s0+$0x5050] =	vst v0  }
0x2f: {  	[tilespmem:s0+$0x5060] =	vst v0  }
0x30: {  	[tilespmem:$0x9000] =	vst v0  }
0x31: {  	[tilespmem:$0x9010] =	vst v0  }
0x32: {  	[tilespmem:$0x9020] =	vst v0  }
0x33: {  	[tilespmem:$0x9030] =	vst v0  }
0x34: {  	[tilespmem:$0x9040] =	vst v0  }
0x35: {  	[tilespmem:$0x9050] =	vst v0  }
0x36: {  	[tilespmem:$0x9060] =	vst v0  }
0x37: {  	[tilespmem:$0x9070] =	vst v0  }
0x38: {  	[spmem:s9] =	stream.linear.scatter [tilespmem:s24], [sflag:$0x3], $0x4000, $0x38;
	[tilespmem:$0x1D300] =	vst v63  }
0x39: {  	_ =	swait.ge [sflag:s22], $0x4000  }
0x3a: {  	[sflag:s22] =	ssyncset.done $0x0  }
0x3b: {  	[sflag:s22] =	ssyncadd.s32 $0xFFFFC000  }
0x3c: {  	[spmem:s10] =	stream.linear.scatter [tilespmem:s25], [sflag:$0x3], $0x80, $0x38;
	[tilespmem:$0x1D300] =	vst v63  }
0x3d: {  	_ =	swait.ge [sflag:s22], $0x80  }
0x3e: {  	[sflag:s22] =	ssyncset.done $0x0  }
0x3f: {  	[sflag:s22] =	ssyncadd.s32 $0xFFFFFF80  }
0x40: {  	[spmem:s11] =	stream.linear.scatter [tilespmem:s24], [sflag:$0x3], $0x4000, $0x38;
	[tilespmem:$0x1D300] =	vst v63  }
0x41: {  	_ =	swait.ge [sflag:s22], $0x4000  }
0x42: {  	[sflag:s22] =	ssyncset.done $0x0  }
0x43: {  	[sflag:s22] =	ssyncadd.s32 $0xFFFFC000  }
0x44: {  	[spmem:s12] =	stream.linear.scatter [tilespmem:s25], [sflag:$0x3], $0x80, $0x38;
	[tilespmem:$0x1D300] =	vst v63  }
0x45: {  	_ =	swait.ge [sflag:s22], $0x80  }
0x46: {  	[sflag:s22] =	ssyncset.done $0x0  }
0x47: {  	[sflag:s22] =	ssyncadd.s32 $0xFFFFFF80  }
0x48: {  	[spmem:s13] =	stream.linear.scatter [tilespmem:s24], [sflag:$0x3], $0x4000, $0x38;
	[tilespmem:$0x1D300] =	vst v63  }
0x49: {  	_ =	swait.ge [sflag:s22], $0x4000  }
0x4a: {  	[sflag:s22] =	ssyncset.done $0x0  }
0x4b: {  	[sflag:s22] =	ssyncadd.s32 $0xFFFFC000  }
0x4c: {  	[spmem:s14] =	stream.linear.scatter [tilespmem:s25], [sflag:$0x3], $0x80, $0x38;
	[tilespmem:$0x1D300] =	vst v63  }
0x4d: {  	_ =	swait.ge [sflag:s22], $0x80  }
0x4e: {  	[sflag:s22] =	ssyncset.done $0x0  }
0x4f: {  	[sflag:s22] =	ssyncadd.s32 $0xFFFFFF80  }
0x50: {  	[spmem:s15] =	stream.linear.scatter [tilespmem:s24], [sflag:$0x3], $0x4000, $0x38;
	[tilespmem:$0x1D300] =	vst v63  }
0x51: {  	_ =	swait.ge [sflag:s22], $0x4000  }
0x52: {  	[sflag:s22] =	ssyncset.done $0x0  }
0x53: {  	[sflag:s22] =	ssyncadd.s32 $0xFFFFC000  }
0x54: {  	[spmem:s16] =	stream.linear.scatter [tilespmem:s25], [sflag:$0x3], $0x80, $0x38;
	[tilespmem:$0x1D300] =	vst v63  }
0x55: {  	_ =	swait.ge [sflag:s22], $0x80  }
0x56: {  	[sflag:s22] =	ssyncset.done $0x0  }
0x57: {  	[sflag:s22] =	ssyncadd.s32 $0xFFFFFF80  }
0x58: {  	[spmem:s17] =	stream.linear.scatter [tilespmem:s24], [sflag:$0x3], $0x4000, $0x38;
	[tilespmem:$0x1D300] =	vst v63  }
0x59: {  	_ =	swait.ge [sflag:s22], $0x4000  }
0x5a: {  	[sflag:s22] =	ssyncset.done $0x0  }
0x5b: {  	[sflag:s22] =	ssyncadd.s32 $0xFFFFC000  }
0x5c: {  	[spmem:s18] =	stream.linear.scatter [tilespmem:s25], [sflag:$0x3], $0x80, $0x38;
	[tilespmem:$0x1D300] =	vst v63  }
0x5d: {  	_ =	swait.ge [sflag:s22], $0x80  }
0x5e: {  	[sflag:s22] =	ssyncset.done $0x0  }
0x5f: {  	[sflag:s22] =	ssyncadd.s32 $0xFFFFFF80  }
0x60: {  	s31 =	simm.s32 $0x2800;
	[bflag:$0x0] =	sbarrier.arrive $0xFFFF  }
0x61: {  	[tilespmem:s25], [sflag:$0x2] =	stream.indirect.gather [hbm4b:s6+s26], $0x1, s31, s26, $0xb8;
	[tilespmem:$0x1D300] =	vst v63  }
0x62: {  	s23 =	simm.s32 $0x0  }
0x63: {  	[tilespmem:s24], [sflag:$0x1] =	stream.indirect.gather [hbm4b:s5+s26], $0x80, s23, s26, $0xb8;
	[tilespmem:$0x1D300] =	vst v63  }
0x64: {  	_ =	swait.ge [sflag:s28], $0x4000  }
0x65: {  	[sflag:s28] =	ssyncset.done $0x0  }
0x66: {  	[sflag:s28] =	ssyncadd.s32 $0xFFFFC000  }
0x67: {  	_ =	swait.ge [sflag:s29], $0x80  }
0x68: {  	[sflag:s29] =	ssyncset.done $0x0  }
0x69: {  	[sflag:s29] =	ssyncadd.s32 $0xFFFFFF80  }
0x6a: {  	[spmem:s2] =	stream.indirect.scatter.add.f32 [tilespmem:s24], [sflag:$0x3], $0x80, s31, s26, $0xb8;
	[tilespmem:$0x1D300] =	vst v63  }
0x6b: {  	_ =	swait.ge [sflag:s22], $0x4000  }
0x6c: {  	[sflag:s22] =	ssyncset.done $0x0  }
0x6d: {  	[sflag:s22] =	ssyncadd.s32 $0xFFFFC000  }
0x6e: {  	[spmem:s3] =	stream.indirect.scatter.add.f32 [tilespmem:s25], [sflag:$0x3], $0x1, s23, s26, $0xb8;
	[tilespmem:$0x1D300] =	vst v63  }
0x6f: {  	_ =	swait.ge [sflag:s22], $0x80  }
0x70: {  	s0 =	simm.s32 $0x80;
	s23 =	simm.s32 $0x400;
	[sflag:s22] =	ssyncset.done $0x0  }
.LBB2_4:
0x71: {  	s30 =	sadd.s32 $0x2800, s0  }
0x72: {  	[sflag:s22] =	ssyncadd.s32 $0xFFFFFF80;
	s31 =	smov.u32 s23;
	s4 =	sadd.s32 $0x200, s23  }
0x73: {  	[tilespmem:s25], [sflag:$0x2] =	stream.indirect.gather [hbm4b:s6+s26], $0x1, s30, s26, $0xb8;
	[tilespmem:$0x1D300] =	vst v63  }
0x74: {  	p0 =	sne.s32 s23, $0x9C00  }
0x75: {  	[tilespmem:s24], [sflag:$0x1] =	stream.indirect.gather [hbm4b:s5+s26], $0x80, s0, s26, $0xb8;
	[tilespmem:$0x1D300] =	vst v63  }
0x76: {  	_ =	swait.ge [sflag:s28], $0x4000  }
0x77: {  	[sflag:s28] =	ssyncset.done $0x0  }
0x78: {  	[sflag:s28] =	ssyncadd.s32 $0xFFFFC000  }
0x79: {  	_ =	swait.ge [sflag:s29], $0x80  }
0x7a: {  	[sflag:s29] =	ssyncset.done $0x0  }
0x7b: {  	[sflag:s29] =	ssyncadd.s32 $0xFFFFFF80  }
0x7c: {  	[spmem:s2] =	stream.indirect.scatter.add.f32 [tilespmem:s24], [sflag:$0x3], $0x80, s30, s26, $0xb8;
	[tilespmem:$0x1D300] =	vst v63  }
0x7d: {  	_ =	swait.ge [sflag:s22], $0x4000  }
.Ltmp1:
0x7e: {  	[sflag:s22] =	ssyncset.done $0x0;
	(pc) =	sbr.rel @p0 .LBB2_4-.Ltmp1, $4  }
0x7f: {  	[sflag:s22] =	ssyncadd.s32 $0xFFFFC000  }
0x80: {  	[spmem:s3] =	stream.indirect.scatter.add.f32 [tilespmem:s25], [sflag:$0x3], $0x1, s0, s26, $0xb8;
	[tilespmem:$0x1D300] =	vst v63  }
0x81: {  	_ =	swait.ge [sflag:s22], $0x80  }
0x82: {  	s23 =	smov.u32 s4;
	s0 =	sshra.s32 s31, $0x2;
	[sflag:s22] =	ssyncset.done $0x0  }
0x83: {  	s4 =	sadd.s32 $0x2800, s0;
	[sflag:s22] =	ssyncadd.s32 $0xFFFFFF80  }
0x84: {  	[tilespmem:s25], [sflag:$0x2] =	stream.indirect.gather [hbm4b:s6+s26], $0x1, s4, s26, $0xb8;
	[tilespmem:$0x1D300] =	vst v63  }
0x85: {  	_ = 	snop  }
0x86: {  	[tilespmem:s24], [sflag:$0x1] =	stream.indirect.gather [hbm4b:s5+s26], $0x80, s0, s26, $0xb8;
	[tilespmem:$0x1D300] =	vst v63  }
0x87: {  	_ =	swait.ge [sflag:s28], $0x4000  }
0x88: {  	[sflag:s28] =	ssyncset.done $0x0  }
0x89: {  	[sflag:s28] =	ssyncadd.s32 $0xFFFFC000  }
0x8a: {  	_ =	swait.ge [sflag:s29], $0x80  }
0x8b: {  	[sflag:s29] =	ssyncset.done $0x0  }
0x8c: {  	[sflag:s29] =	ssyncadd.s32 $0xFFFFFF80  }
0x8d: {  	[spmem:s2] =	stream.indirect.scatter.add.f32 [tilespmem:s24], [sflag:$0x3], $0x80, s4, s26, $0xb8;
	[tilespmem:$0x1D300] =	vst v63  }
0x8e: {  	_ =	swait.ge [sflag:s22], $0x4000  }
0x8f: {  	[sflag:s22] =	ssyncset.done $0x0  }
0x90: {  	[sflag:s22] =	ssyncadd.s32 $0xFFFFC000  }
0x91: {  	[spmem:s3] =	stream.indirect.scatter.add.f32 [tilespmem:s25], [sflag:$0x3], $0x1, s0, s26, $0xb8;
	[tilespmem:$0x1D300] =	vst v63  }
0x92: {  	_ =	swait.ge [sflag:s22], $0x80  }
0x93: {  	s23 =	stileid.u32;
	[sflag:s22] =	ssyncset.done $0x0  }
0x94: {  	s0 =	sshll.u32 s23, $0x6;
	[sflag:s22] =	ssyncadd.s32 $0xFFFFFF80  }
0x95: {  	s30 =	sshrl.u32 s9, $0x3;
	s0 =	sor.u32 $0x1C03, s0;
	[bflag:$0x0] =	sbarrier.arrive $0xFFFF  }
0x96: {  	[hbm:s19], [sflag:s0] =	dma.local [spmem:s30], $0x2800  }
0x97: {  	s31 =	sshrl.u32 s10, $0x3;
	s1 =	sadd.s32 $0x1, s1;
	_ =	swait.ge [sflag:s22], $0x2800  }
0x98: {  	p0 =	sne.s32 s1, s21;
	s23 =	simm.s32 $0x20;
	[sflag:s22] =	ssyncset.done $0x0  }
.Ltmp2:
0x99: {  	s30 =	simm.s32 $0x10;
	[sflag:s22] =	ssyncadd.s32 $0xFFFFD800;
	(pc) =	sbr.rel @p0 .LBB2_1-.Ltmp2, $4  }
0x9a: {  	[hbm:s20@s23], [sflag:s0] =	dma.strided [spmem:s31@s30], $0x50, s28, $0x10   }
0x9b: {  	_ =	swait.ge [sflag:s22], $0x50  }
0x9c: {  	[sflag:s22] =	ssyncset.done $0x0  }
0x9d: {  	[sflag:s22] =	ssyncadd.s32 $0xFFFFFFB0  }
0x9e: {  	_ =	sfence.sel $0x180000  }
0x9f: {  	[bflag:$0x0] =	sbarrier.arrive $0xFFFF  }
0xa0: {  	_ =	strace $0x9000004A  }
0xa1: {  	s0 =	stileid.u32;
	[bflag:$0x2] =	sbarrier.arrive $0xFFFF  }
0xa2: {  	p0 =	sne.s32 s0, $0x0;
	s0 =	rddreg [dreg:$0x3]  }
0xa3: {  	s0 =	sadd.s32 @!p0 $0x100000, s0  }
0xa4: {  	[sflag:s0] =	ssyncadd.tile.s32 @!p0 $0x1;
	_ =	shalt  }
.Lfunc_end2:
_tile_overlayer_lowered:
.L_overlay_start_2:
0xa5: {  	(tag) =	ssettag $0x2  }
0xa6: {  	s0 =	rddreg [dreg:$0x0];
	s2 =	stileid.u32  }
0xa7: {  	s1 =	rddreg [dreg:$0x1];
	p0 =	sne.s32 s2, $0x0  }
0xa8: {  	s3 =	rddreg [dreg:$0x2];
	[bflag:$0x3] =	sbarrier.arrive $0xFFFF;
	s2 =	simm.s32 @!p0 $0x1C03  }
0xa9: {  	[timem:s3], [sflag:s2] =	dma.local @!p0 [hbm:s0], s1  }
0xaa: {  	s0 =	simm.s32 @!p0 $0x3  }
0xab: {  	_ =	swait.ge @!p0 [sflag:s0], s1  }
0xac: {  	s1 =	ssub.s32 @!p0 $0x0, s1;
	[sflag:s0] =	ssyncset.done @!p0 $0x0  }
0xad: {  	[sflag:s0] =	ssyncadd.s32 @!p0 s1  }
0xae: {  	[bflag:$0x3] =	sbarrier.arrive $0xFFFF  }
0xaf: {  	_ =	shalt  }

</sc_bundles>
